<compile_context>
chip_gen: v7x
topology: tpu7x:2x2x1
jax: 0.10.2.dev20260603
libtpu: 0.0.44.dev20260713+nightly
codegen_flags: <defaults>
</compile_context>

<pallas_src>
import functools

import jax
import jax.numpy as jnp
from jax import lax
from jax.experimental import pallas as pl
from jax.experimental.pallas import tpu as pltpu
from jax.experimental.pallas import tpu_sc as plsc

N = 10000
E = 320000
D = 128
H = 128
Z = 64

NC = 2
NS = 16
NW = NC * NS

CL = 125
CHUNKS = 80
G = 8
NPAN = CHUNKS // G
EPW = CHUNKS * CL

SLAB = 632
N_ACC = NS * SLAB
N_HIST = 10240

RB = 400
GRID_R = N // RB

@functools.cache
def _mesh():
    return plsc.VectorSubcoreMesh(core_axis_name="c", subcore_axis_name="s",
                                  num_cores=NC, num_subcores=NS)


def _deg_body(dst_hbm, out_hbm, idx_v, hist_v):
    c = lax.axis_index("c")
    s = lax.axis_index("s")
    w = c * NS + s
    zeros16 = jnp.zeros((16,), jnp.float32)
    ones16 = jnp.ones((16,), jnp.float32)

    def _zero(m, _):
        hist_v[pl.ds(m * 16, 16)] = zeros16
        return _

    lax.fori_loop(0, N_HIST // 16, _zero, None)
    pltpu.sync_copy(dst_hbm.at[w], idx_v)

    def _accum(m, _):
        idx16 = idx_v[pl.ds(m * 16, 16)]
        plsc.addupdate_scatter(hist_v, [idx16], ones16)
        return _

    lax.fori_loop(0, EPW // 16, _accum, None)
    pltpu.sync_copy(hist_v, out_hbm.at[w])


@functools.cache
def _deg_kernel():
    return pl.kernel(
        _deg_body,
        out_type=jax.ShapeDtypeStruct((NW, N_HIST), jnp.float32),
        mesh=_mesh(),
        compiler_params=pltpu.CompilerParams(needs_layout_passes=False),
        scratch_types=[
            pltpu.VMEM((EPW,), jnp.int32),
            pltpu.VMEM((N_HIST,), jnp.float32),
        ],
    )


def _prop_body(y_hbm, src_hbm, dst_hbm, zero_hbm, out_hbm,
               src_p, dst_v, rows_v, rsem, isem, acc_sh):
    c = lax.axis_index("c")
    s = lax.axis_index("s")
    pltpu.sync_copy(zero_hbm, acc_sh.at[pl.ds(s * SLAB, SLAB)])
    pltpu.sync_copy(dst_hbm.at[c, s], dst_v)
    pltpu.sync_copy(src_hbm.at[c, s, 0], src_p.at[0])
    plsc.subcore_barrier()

    def _gather(j, slot):
        pltpu.async_copy(y_hbm.at[src_p.at[(j // G) % 2, j % G]],
                         rows_v.at[slot], rsem.at[slot])

    def _gather_wait(j, slot):
        pltpu.make_async_copy(y_hbm.at[src_p.at[(j // G) % 2, j % G]],
                              rows_v.at[slot], rsem.at[slot]).wait()

    _gather(0, 0)
    _gather(1, 1)

    def _chunk(j, _):
        b = j % 2
        pan = j // G
        off = j % G

        @pl.when(jnp.logical_and(off == 0, pan + 1 < NPAN))
        def _():
            pltpu.async_copy(src_hbm.at[c, s, pan + 1],
                             src_p.at[(pan + 1) % 2], isem.at[(pan + 1) % 2])

        @pl.when(jnp.logical_and(off == G - 2, pan + 1 < NPAN))
        def _():
            pltpu.make_async_copy(src_hbm.at[c, s, pan + 1],
                                  src_p.at[(pan + 1) % 2],
                                  isem.at[(pan + 1) % 2]).wait()

        _gather_wait(j, b)
        pltpu.sync_copy(rows_v.at[b], acc_sh.at[dst_v.at[j]], add=True)

        @pl.when(j + 2 < CHUNKS)
        def _():
            _gather(j + 2, b)

        return _

    lax.fori_loop(0, CHUNKS, _chunk, None)
    plsc.subcore_barrier()
    pltpu.sync_copy(acc_sh.at[pl.ds(s * SLAB, SLAB)],
                    out_hbm.at[c, pl.ds(s * SLAB, SLAB)])


@functools.cache
def _prop_kernel():
    return pl.kernel(
        _prop_body,
        out_type=jax.ShapeDtypeStruct((NC, N_ACC, D), jnp.float32),
        mesh=_mesh(),
        compiler_params=pltpu.CompilerParams(needs_layout_passes=False),
        scratch_types=[
            pltpu.VMEM((2, G, CL), jnp.int32),
            pltpu.VMEM((CHUNKS, CL), jnp.int32),
            pltpu.VMEM((2, CL, D), jnp.float32),
            pltpu.SemaphoreType.DMA((2,)),
            pltpu.SemaphoreType.DMA((2,)),
            pltpu.VMEM_SHARED((N_ACC, D), jnp.float32),
        ],
    )


def _dinv_body(hist_ref, out_ref):
    deg = jnp.sum(hist_ref[...], axis=0) + 1.0
    out_ref[...] = lax.rsqrt(deg)


def _y1sem_body(x_ref, w_ref, dinv_ref, h_ref, ws_ref, bs_ref,
                y_ref, s_ref, sum_ref, sq_ref):
    y_ref[...] = jnp.dot(x_ref[...], w_ref[...],
                         preferred_element_type=jnp.float32) * dinv_ref[...]
    s = jnp.dot(h_ref[...], ws_ref[...],
                preferred_element_type=jnp.float32) + bs_ref[...]
    s_ref[...] = s
    ss = jnp.sum(s, axis=0, keepdims=True)
    qs = jnp.sum(s * s, axis=0, keepdims=True)
    i = pl.program_id(0)

    @pl.when(i == 0)
    def _init():
        sum_ref[...] = ss
        sq_ref[...] = qs

    @pl.when(i != 0)
    def _acc():
        sum_ref[...] += ss
        sq_ref[...] += qs


def _mid_body(p_ref, y_ref, dinv_ref, b1_ref, w2_ref, out_ref):
    h1 = jax.nn.relu(dinv_ref[...] * (p_ref[0] + p_ref[1] + y_ref[...])
                     + b1_ref[...])
    out_ref[...] = jnp.dot(h1, w2_ref[...],
                           preferred_element_type=jnp.float32) * dinv_ref[...]


def _heads_body(p_ref, y_ref, dinv_ref, b2_ref, wt1_ref, bt1_ref,
                t_ref, sum_t_ref, sq_t_ref):
    h2 = dinv_ref[...] * (p_ref[0] + p_ref[1] + y_ref[...]) + b2_ref[...]
    t = jnp.dot(h2, wt1_ref[...], preferred_element_type=jnp.float32) \
        + bt1_ref[...]
    t_ref[...] = t
    st = jnp.sum(t, axis=0, keepdims=True)
    qt = jnp.sum(t * t, axis=0, keepdims=True)
    i = pl.program_id(0)

    @pl.when(i == 0)
    def _init():
        sum_t_ref[...] = st
        sq_t_ref[...] = qt

    @pl.when(i != 0)
    def _acc():
        sum_t_ref[...] += st
        sq_t_ref[...] += qt


def _final_body(t_ref, s_ref, st_ref, qt_ref, ss_ref, qs_ref,
                gt_ref, btb_ref, wt2_ref, bt2_ref,
                gs_ref, bsb_ref, ws2_ref, bs2_ref,
                zt_ref, zs_ref):
    inv_n = 1.0 / N

    def _head(x, sum_ref, sq_ref, g_ref, b_ref, w_ref, b2_ref, out_ref):
        m = sum_ref[...] * inv_n
        v = sq_ref[...] * inv_n - m * m
        xn = jax.nn.relu((x - m) * lax.rsqrt(v + 1e-5) * g_ref[...]
                         + b_ref[...])
        z = jnp.dot(xn, w_ref[...], preferred_element_type=jnp.float32) \
            + b2_ref[...]
        nrm = jnp.sqrt(jnp.sum(z * z, axis=1, keepdims=True))
        out_ref[...] = z / jnp.maximum(nrm, 1e-12)

    _head(t_ref[...], st_ref, qt_ref, gt_ref, btb_ref, wt2_ref, bt2_ref,
          zt_ref)
    _head(s_ref[...], ss_ref, qs_ref, gs_ref, bsb_ref, ws2_ref, bs2_ref,
          zs_ref)


def _full(shape):
    return pl.BlockSpec(shape, lambda i: (0,) * len(shape))


def _rows(shape):
    return pl.BlockSpec(shape, lambda i: (i,) + (0,) * (len(shape) - 1))


_f32 = jnp.float32


def _dinv_call(hists3d):
    return pl.pallas_call(
        _dinv_body,
        out_shape=jax.ShapeDtypeStruct((N_HIST // 128, 128), _f32),
    )(hists3d)


def _y1sem_call(x, w1, dinv_col, h_sem, ws1, bs1r):
    return pl.pallas_call(
        _y1sem_body,
        grid=(GRID_R,),
        in_specs=[_rows((RB, D)), _full((D, H)), _rows((RB, 1)),
                  _rows((RB, D)), _full((D, H)), _full((1, H))],
        out_specs=[_rows((RB, H)), _rows((RB, H)),
                   _full((1, H)), _full((1, H))],
        out_shape=[jax.ShapeDtypeStruct((N, H), _f32),
                   jax.ShapeDtypeStruct((N, H), _f32),
                   jax.ShapeDtypeStruct((1, H), _f32),
                   jax.ShapeDtypeStruct((1, H), _f32)],
    )(x, w1, dinv_col, h_sem, ws1, bs1r)


def _mid_call(p, y1, dinv_col, b1r, w2):
    return pl.pallas_call(
        _mid_body,
        grid=(GRID_R,),
        in_specs=[pl.BlockSpec((NC, RB, H), lambda i: (0, i, 0)),
                  _rows((RB, H)), _rows((RB, 1)), _full((1, H)),
                  _full((H, H))],
        out_specs=_rows((RB, H)),
        out_shape=jax.ShapeDtypeStruct((N, H), _f32),
    )(p, y1, dinv_col, b1r, w2)


def _heads_call(p, y2, dinv_col, b2r, wt1, bt1r):
    return pl.pallas_call(
        _heads_body,
        grid=(GRID_R,),
        in_specs=[pl.BlockSpec((NC, RB, H), lambda i: (0, i, 0)),
                  _rows((RB, H)), _rows((RB, 1)), _full((1, H)),
                  _full((H, H)), _full((1, H))],
        out_specs=[_rows((RB, H)),
                   _full((1, H)), _full((1, H))],
        out_shape=[jax.ShapeDtypeStruct((N, H), _f32),
                   jax.ShapeDtypeStruct((1, H), _f32),
                   jax.ShapeDtypeStruct((1, H), _f32)],
    )(p, y2, dinv_col, b2r, wt1, bt1r)


def _final_call(t, s, st, qt, ss, qs, gtr, btbr, wt2, bt2r,
                gsr, bsbr, ws2, bs2r):
    return pl.pallas_call(
        _final_body,
        grid=(GRID_R,),
        in_specs=[_rows((RB, H)), _rows((RB, H)),
                  _full((1, H)), _full((1, H)), _full((1, H)), _full((1, H)),
                  _full((1, H)), _full((1, H)), _full((H, Z)), _full((1, Z)),
                  _full((1, H)), _full((1, H)), _full((H, Z)), _full((1, Z))],
        out_specs=[_rows((RB, Z)), _rows((RB, Z))],
        out_shape=[jax.ShapeDtypeStruct((N, Z), _f32),
                   jax.ShapeDtypeStruct((N, Z), _f32)],
    )(t, s, st, qt, ss, qs, gtr, btbr, wt2, bt2r, gsr, bsbr, ws2, bs2r)


def kernel(x_topo, edge_index, h_sem, W1, b1, W2, b2, Wt1, bt1, gt, btb,
           Wt2, bt2, Ws1, bs1, gs, bsb, Ws2, bs2):
    src_idx = edge_index[0].reshape(NC, NS, NPAN, G, CL)
    dst_idx = edge_index[1].reshape(NC, NS, CHUNKS, CL)
    dst_flat = edge_index[1].reshape(NW, EPW)
    zero_slab = jnp.zeros((SLAB, D), _f32)

    hists = _deg_kernel()(dst_flat)
    dinv = _dinv_call(hists.reshape(NW, N_HIST // 128, 128))
    dinv_col = dinv.reshape(N_HIST, 1)[:N]

    b1r, b2r = b1.reshape(1, H), b2.reshape(1, H)
    bt1r, bs1r = bt1.reshape(1, H), bs1.reshape(1, H)
    gtr, btbr = gt.reshape(1, H), btb.reshape(1, H)
    gsr, bsbr = gs.reshape(1, H), bsb.reshape(1, H)
    bt2r, bs2r = bt2.reshape(1, Z), bs2.reshape(1, Z)

    y1, s, ss, qs = _y1sem_call(x_topo, W1, dinv_col, h_sem, Ws1, bs1r)
    p1 = _prop_kernel()(y1, src_idx, dst_idx, zero_slab)
    y2 = _mid_call(p1, y1, dinv_col, b1r, W2)
    p2 = _prop_kernel()(y2, src_idx, dst_idx, zero_slab)
    t, st, qt = _heads_call(p2, y2, dinv_col, b2r, Wt1, bt1r)
    z_topo, z_sem = _final_call(t, s, st, qt, ss, qs, gtr, btbr, Wt2, bt2r,
                                gsr, bsbr, Ws2, bs2r)
    return (z_topo, z_sem)

# --- scband reference (transcript-rebuilt; emitter-appended) ---
"""Pipeline reference for scband-dual-stream-node-detector-13400297964060 (READ-ONLY COPY).

The authoritative reference and input builder live on the scoring server;
editing this copy changes nothing except your own understanding.
"""

import jax, jax.numpy as jnp
import numpy as np

N = 10000
E = 320000
D = 128
H = 128
Z = 64


def setup_inputs(seed: int = 0) -> dict:
    key = jax.random.key(seed)
    ks = jax.random.split(key, 24)
    w = lambda k, shape, s: jax.random.normal(k, shape, dtype=jnp.float32) * s
    p = {}
    p["x_topo"] = jax.random.normal(ks[0], (N, D), dtype=jnp.float32)
    p["edge_index"] = jax.random.randint(ks[1], (2, E), 0, N, dtype=jnp.int32)
    p["h_sem"] = jax.random.normal(ks[2], (N, D), dtype=jnp.float32)
    # GCNConv 1 (lin bias=False in PyG, separate bias param)
    p["W1"] = w(ks[3], (D, H), 0.08)
    p["b1"] = jnp.zeros((H,), jnp.float32)
    # GCNConv 2
    p["W2"] = w(ks[4], (H, H), 0.08)
    p["b2"] = jnp.zeros((H,), jnp.float32)
    # mlp_topo: Linear(H,H) -> BN(H) -> ReLU -> Linear(H,Z)
    p["Wt1"] = w(ks[5], (H, H), 0.08)
    p["bt1"] = jnp.zeros((H,), jnp.float32)
    p["gt"] = jnp.ones((H,), jnp.float32)
    p["btb"] = jnp.zeros((H,), jnp.float32)
    p["Wt2"] = w(ks[6], (H, Z), 0.08)
    p["bt2"] = jnp.zeros((Z,), jnp.float32)
    # mlp_sem: Linear(D,H) -> BN(H) -> ReLU -> Linear(H,Z)
    p["Ws1"] = w(ks[7], (D, H), 0.08)
    p["bs1"] = jnp.zeros((H,), jnp.float32)
    p["gs"] = jnp.ones((H,), jnp.float32)
    p["bsb"] = jnp.zeros((H,), jnp.float32)
    p["Ws2"] = w(ks[8], (H, Z), 0.08)
    p["bs2"] = jnp.zeros((Z,), jnp.float32)
    return p


def gcn_conv(x, edge_index, W, b):
    n = x.shape[0]
    x = x @ W
    loop = jnp.arange(n, dtype=edge_index.dtype)
    src = jnp.concatenate([edge_index[0], loop])
    dst = jnp.concatenate([edge_index[1], loop])
    deg = jnp.zeros((n,), x.dtype).at[dst].add(1.0)
    dinv = jnp.where(deg > 0, 1.0 / jnp.sqrt(deg), 0.0)
    norm = dinv[src] * dinv[dst]
    msg = x[src] * norm[:, None]
    out = jnp.zeros((n, x.shape[1]), x.dtype).at[dst].add(msg)
    return out + b


def batchnorm(x, gamma, beta):
    m = jnp.mean(x, axis=0)
    v = jnp.var(x, axis=0)
    return (x - m) / jnp.sqrt(v + 1e-5) * gamma + beta


def l2_normalize(x):
    n = jnp.linalg.norm(x, ord=2, axis=1, keepdims=True)
    return x / jnp.maximum(n, 1e-12)


def reference(x_topo, edge_index, h_sem, W1, b1, W2, b2, Wt1, bt1, gt, btb, Wt2, bt2, Ws1, bs1, gs, bsb, Ws2, bs2):
    h_topo = jax.nn.relu(gcn_conv(x_topo, edge_index, W1, b1))
    h_topo = gcn_conv(h_topo, edge_index, W2, b2)
    t = h_topo @ Wt1 + bt1
    t = jax.nn.relu(batchnorm(t, gt, btb))
    t = t @ Wt2 + bt2
    z_topo = l2_normalize(t)
    s = h_sem @ Ws1 + bs1
    s = jax.nn.relu(batchnorm(s, gs, bsb))
    s = s @ Ws2 + bs2
    z_sem = l2_normalize(s)
    return (z_topo, z_sem)

if __name__ == "__main__":
    import jax
    _d = setup_inputs()
    print(jax.jit(kernel)(*tuple(_d.values())))

</pallas_src>

<mosaic_0001>
#map = affine_map<(d0, d1) -> (0, 0)>
module attributes {stable_mosaic.version = 14 : i64} {
  func.func @_deg_body(%arg0: i32, %arg1: i32, %arg2: memref<32x10000xi32, #tpu.memory_space<hbm>>, %arg3: memref<32x10240xf32, #tpu.memory_space<hbm>>, %arg4: memref<10000xi32, #tpu.memory_space<vmem>>, %arg5: memref<10240xf32, #tpu.memory_space<vmem>>) attributes {dimension_semantics = [#tpu.dimension_semantics<core_parallel>, #tpu.dimension_semantics<subcore_parallel>], iteration_bounds = array<i64: 2, 16>, scalar_prefetch = 0 : i64, scratch_operands = 2 : i64, tpu.core_type = #tpu.core_type<sc_vector_subcore>, window_params = [{transform_indices = #map}, {transform_indices = #map}]} {
    %mul3A = arith.constant 16 : i32
    %mul3A_0 = arith.muli %arg0, %mul3A : i32
    %add3A = arith.addi %mul3A_0, %arg1 : i32
    %broadcast_in_dim3A = arith.constant 0.000000e+00 : f32
    %broadcast_in_dim3A_1 = vector.broadcast %broadcast_in_dim3A : f32 to vector<16xf32>
    %broadcast_in_dim3A_2 = arith.constant 1.000000e+00 : f32
    %broadcast_in_dim3A_3 = vector.broadcast %broadcast_in_dim3A_2 : f32 to vector<16xf32>
    %scan3A = arith.constant 0 : i32
    %scan3A_4 = arith.constant 640 : i32
    %scan3A_5 = arith.addi %scan3A, %scan3A_4 : i32
    %scan3A_6 = arith.constant 1 : i32
    scf.for %scan3A_13 = %scan3A to %scan3A_5 step %scan3A_6  : i32 {
      %mul3A_14 = arith.constant 16 : i32
      %mul3A_15 = arith.muli %scan3A_13, %mul3A_14 : i32
      %swap3A = arith.index_cast %mul3A_15 : i32 to index
      %swap3A_16 = tpu.vector_load %arg5[%swap3A] {strides = array<i32>} : memref<10240xf32, #tpu.memory_space<vmem>>, vector<16xf32>,
      tpu.vector_store %arg5[%swap3A], %broadcast_in_dim3A_1 {strides = array<i32>} : memref<10240xf32, #tpu.memory_space<vmem>>, vector<16xf32>,
    }
    %scan3A_7 = arith.constant 640 : i32
    "tpu.region"() ({
      %run_scoped3A = tpu.sem_alloc : memref<!tpu.dma_semaphore, #tpu.memory_space<semaphore_mem>>
      %dma_start3A = arith.constant 0 : i32
      %dma_start3A_13 = tpu.memref_slice %arg2[%add3A, %dma_start3A] : memref<32x10000xi32, #tpu.memory_space<hbm>> -> memref<1x10000xi32, #tpu.memory_space<hbm>>
      %dma_start3A_14 = tpu.memref_squeeze %dma_start3A_13 : memref<1x10000xi32, #tpu.memory_space<hbm>> -> memref<10000xi32, #tpu.memory_space<hbm>>
      %dma_start3A_15 = arith.constant 0 : i32
      %dma_start3A_16 = tpu.memref_slice %arg2[%add3A, %dma_start3A_15] : memref<32x10000xi32, #tpu.memory_space<hbm>> -> memref<1x10000xi32, #tpu.memory_space<hbm>>
      %dma_start3A_17 = tpu.memref_squeeze %dma_start3A_16 : memref<1x10000xi32, #tpu.memory_space<hbm>> -> memref<10000xi32, #tpu.memory_space<hbm>>
      tpu.enqueue_dma source(%dma_start3A_17 : memref<10000xi32, #tpu.memory_space<hbm>>) target(%arg4 : memref<10000xi32, #tpu.memory_space<vmem>>) target_semaphore(%run_scoped3A : memref<!tpu.dma_semaphore, #tpu.memory_space<semaphore_mem>>)
      %dma_wait3A = arith.constant 0 : i32
      %dma_wait3A_18 = tpu.memref_slice %arg2[%add3A, %dma_wait3A] : memref<32x10000xi32, #tpu.memory_space<hbm>> -> memref<1x10000xi32, #tpu.memory_space<hbm>>
      %dma_wait3A_19 = tpu.memref_squeeze %dma_wait3A_18 : memref<1x10000xi32, #tpu.memory_space<hbm>> -> memref<10000xi32, #tpu.memory_space<hbm>>
      %dma_wait3A_20 = arith.constant 0 : i32
      %dma_wait3A_21 = tpu.memref_slice %arg2[%add3A, %dma_wait3A_20] : memref<32x10000xi32, #tpu.memory_space<hbm>> -> memref<1x10000xi32, #tpu.memory_space<hbm>>
      %dma_wait3A_22 = tpu.memref_squeeze %dma_wait3A_21 : memref<1x10000xi32, #tpu.memory_space<hbm>> -> memref<10000xi32, #tpu.memory_space<hbm>>
      tpu.wait_dma2 semaphore(%run_scoped3A : memref<!tpu.dma_semaphore, #tpu.memory_space<semaphore_mem>>) src(%dma_wait3A_22 : memref<10000xi32, #tpu.memory_space<hbm>>) dst(%arg4 : memref<10000xi32, #tpu.memory_space<vmem>>)
      tpu.yield
    }) : () -> ()
    %scan3A_8 = arith.constant 0 : i32
    %scan3A_9 = arith.constant 625 : i32
    %scan3A_10 = arith.addi %scan3A_8, %scan3A_9 : i32
    %scan3A_11 = arith.constant 1 : i32
    scf.for %scan3A_13 = %scan3A_8 to %scan3A_10 step %scan3A_11  : i32 {
      %mul3A_14 = arith.constant 16 : i32
      %mul3A_15 = arith.muli %scan3A_13, %mul3A_14 : i32
      %get3A = arith.index_cast %mul3A_15 : i32 to index
      %get3A_16 = tpu.vector_load %arg4[%get3A] {strides = array<i32>} : memref<10000xi32, #tpu.memory_space<vmem>>, vector<16xi32>,
      tpu.vector_store_idx %arg5[%get3A_16], %broadcast_in_dim3A_3 {add = true} : memref<10240xf32, #tpu.memory_space<vmem>>[vector<16xi32>], vector<16xf32>,
    }
    %scan3A_12 = arith.constant 625 : i32
    "tpu.region"() ({
      %run_scoped3A = tpu.sem_alloc : memref<!tpu.dma_semaphore, #tpu.memory_space<semaphore_mem>>
      %dma_start3A = arith.constant 0 : i32
      %dma_start3A_13 = tpu.memref_slice %arg3[%add3A, %dma_start3A] : memref<32x10240xf32, #tpu.memory_space<hbm>> -> memref<1x10240xf32, #tpu.memory_space<hbm>>
      %dma_start3A_14 = tpu.memref_squeeze %dma_start3A_13 : memref<1x10240xf32, #tpu.memory_space<hbm>> -> memref<10240xf32, #tpu.memory_space<hbm>>
      %dma_start3A_15 = arith.constant 0 : i32
      %dma_start3A_16 = tpu.memref_slice %arg3[%add3A, %dma_start3A_15] : memref<32x10240xf32, #tpu.memory_space<hbm>> -> memref<1x10240xf32, #tpu.memory_space<hbm>>
      %dma_start3A_17 = tpu.memref_squeeze %dma_start3A_16 : memref<1x10240xf32, #tpu.memory_space<hbm>> -> memref<10240xf32, #tpu.memory_space<hbm>>
      tpu.enqueue_dma source(%arg5 : memref<10240xf32, #tpu.memory_space<vmem>>) target(%dma_start3A_17 : memref<10240xf32, #tpu.memory_space<hbm>>) target_semaphore(%run_scoped3A : memref<!tpu.dma_semaphore, #tpu.memory_space<semaphore_mem>>)
      %dma_wait3A = arith.constant 0 : i32
      %dma_wait3A_18 = tpu.memref_slice %arg3[%add3A, %dma_wait3A] : memref<32x10240xf32, #tpu.memory_space<hbm>> -> memref<1x10240xf32, #tpu.memory_space<hbm>>
      %dma_wait3A_19 = tpu.memref_squeeze %dma_wait3A_18 : memref<1x10240xf32, #tpu.memory_space<hbm>> -> memref<10240xf32, #tpu.memory_space<hbm>>
      %dma_wait3A_20 = arith.constant 0 : i32
      %dma_wait3A_21 = tpu.memref_slice %arg3[%add3A, %dma_wait3A_20] : memref<32x10240xf32, #tpu.memory_space<hbm>> -> memref<1x10240xf32, #tpu.memory_space<hbm>>
      %dma_wait3A_22 = tpu.memref_squeeze %dma_wait3A_21 : memref<1x10240xf32, #tpu.memory_space<hbm>> -> memref<10240xf32, #tpu.memory_space<hbm>>
      tpu.wait_dma2 semaphore(%run_scoped3A : memref<!tpu.dma_semaphore, #tpu.memory_space<semaphore_mem>>) src(%arg5 : memref<10240xf32, #tpu.memory_space<vmem>>) dst(%dma_wait3A_22 : memref<10240xf32, #tpu.memory_space<hbm>>)
      tpu.yield
    }) : () -> ()
    return
  }
}

#map = affine_map<(d0, d1) -> (0, 0)>
#map1 = affine_map<(d0, d1) -> (0, 0, 0, 0, 0)>
#map2 = affine_map<(d0, d1) -> (0, 0, 0, 0)>
#map3 = affine_map<(d0, d1) -> (0, 0, 0)>
module attributes {stable_mosaic.version = 14 : i64} {
  func.func @_prop_body(%arg0: i32, %arg1: i32, %arg2: memref<10000x128xf32, #tpu.memory_space<hbm>>, %arg3: memref<2x16x10x8x125xi32, #tpu.memory_space<hbm>>, %arg4: memref<2x16x80x125xi32, #tpu.memory_space<hbm>>, %arg5: memref<632x128xf32, #tpu.memory_space<hbm>>, %arg6: memref<2x10112x128xf32, #tpu.memory_space<hbm>>, %arg7: memref<2x8x125xi32, #tpu.memory_space<vmem>>, %arg8: memref<80x125xi32, #tpu.memory_space<vmem>>, %arg9: memref<2x125x128xf32, #tpu.memory_space<vmem>>, %arg10: memref<2x!tpu.dma_semaphore, #tpu.memory_space<semaphore_mem>>, %arg11: memref<2x!tpu.dma_semaphore, #tpu.memory_space<semaphore_mem>>, %arg12: memref<10112x128xf32, #tpu.memory_space<vmem_shared>>) attributes {dimension_semantics = [#tpu.dimension_semantics<core_parallel>, #tpu.dimension_semantics<subcore_parallel>], iteration_bounds = array<i64: 2, 16>, scalar_prefetch = 0 : i64, scratch_operands = 6 : i64, tpu.core_type = #tpu.core_type<sc_vector_subcore>, window_params = [{transform_indices = #map}, {transform_indices = #map1}, {transform_indices = #map2}, {transform_indices = #map}, {transform_indices = #map3}]} {
    %mul3A = arith.constant 632 : i32
    %mul3A_0 = arith.muli %arg1, %mul3A : i32
    "tpu.region"() ({
      %run_scoped3A_42 = tpu.sem_alloc : memref<!tpu.dma_semaphore, #tpu.memory_space<semaphore_mem>>
      %dma_start3A_43 = arith.constant 0 : i32
      %dma_start3A_44 = tpu.memref_slice %arg12[%mul3A_0, %dma_start3A_43] : memref<10112x128xf32, #tpu.memory_space<vmem_shared>> -> memref<632x128xf32, #tpu.memory_space<vmem_shared>>
      tpu.enqueue_dma source(%arg5 : memref<632x128xf32, #tpu.memory_space<hbm>>) target(%dma_start3A_44 : memref<632x128xf32, #tpu.memory_space<vmem_shared>>) target_semaphore(%run_scoped3A_42 : memref<!tpu.dma_semaphore, #tpu.memory_space<semaphore_mem>>)
      %dma_wait3A = arith.constant 0 : i32
      %dma_wait3A_45 = tpu.memref_slice %arg12[%mul3A_0, %dma_wait3A] : memref<10112x128xf32, #tpu.memory_space<vmem_shared>> -> memref<632x128xf32, #tpu.memory_space<vmem_shared>>
      tpu.wait_dma2 semaphore(%run_scoped3A_42 : memref<!tpu.dma_semaphore, #tpu.memory_space<semaphore_mem>>) src(%arg5 : memref<632x128xf32, #tpu.memory_space<hbm>>) dst(%dma_wait3A_45 : memref<632x128xf32, #tpu.memory_space<vmem_shared>>)
      tpu.yield
    }) : () -> ()
    "tpu.region"() ({
      %run_scoped3A_42 = tpu.sem_alloc : memref<!tpu.dma_semaphore, #tpu.memory_space<semaphore_mem>>
      %dma_start3A_43 = arith.constant 0 : i32
      %dma_start3A_44 = arith.constant 0 : i32
      %dma_start3A_45 = tpu.memref_slice %arg4[%arg0, %arg1, %dma_start3A_43, %dma_start3A_44] : memref<2x16x80x125xi32, #tpu.memory_space<hbm>> -> memref<1x1x80x125xi32, #tpu.memory_space<hbm>>
      %dma_start3A_46 = tpu.memref_squeeze %dma_start3A_45 : memref<1x1x80x125xi32, #tpu.memory_space<hbm>> -> memref<80x125xi32, #tpu.memory_space<hbm>>
      %dma_start3A_47 = arith.constant 0 : i32
      %dma_start3A_48 = arith.constant 0 : i32
      %dma_start3A_49 = tpu.memref_slice %arg4[%arg0, %arg1, %dma_start3A_47, %dma_start3A_48] : memref<2x16x80x125xi32, #tpu.memory_space<hbm>> -> memref<1x1x80x125xi32, #tpu.memory_space<hbm>>
      %dma_start3A_50 = tpu.memref_squeeze %dma_start3A_49 : memref<1x1x80x125xi32, #tpu.memory_space<hbm>> -> memref<80x125xi32, #tpu.memory_space<hbm>>
      tpu.enqueue_dma source(%dma_start3A_50 : memref<80x125xi32, #tpu.memory_space<hbm>>) target(%arg8 : memref<80x125xi32, #tpu.memory_space<vmem>>) target_semaphore(%run_scoped3A_42 : memref<!tpu.dma_semaphore, #tpu.memory_space<semaphore_mem>>)
      %dma_wait3A = arith.constant 0 : i32
      %dma_wait3A_51 = arith.constant 0 : i32
      %dma_wait3A_52 = tpu.memref_slice %arg4[%arg0, %arg1, %dma_wait3A, %dma_wait3A_51] : memref<2x16x80x125xi32, #tpu.memory_space<hbm>> -> memref<1x1x80x125xi32, #tpu.memory_space<hbm>>
      %dma_wait3A_53 = tpu.memref_squeeze %dma_wait3A_52 : memref<1x1x80x125xi32, #tpu.memory_space<hbm>> -> memref<80x125xi32, #tpu.memory_space<hbm>>
      %dma_wait3A_54 = arith.constant 0 : i32
      %dma_wait3A_55 = arith.constant 0 : i32
      %dma_wait3A_56 = tpu.memref_slice %arg4[%arg0, %arg1, %dma_wait3A_54, %dma_wait3A_55] : memref<2x16x80x125xi32, #tpu.memory_space<hbm>> -> memref<1x1x80x125xi32, #tpu.memory_space<hbm>>
      %dma_wait3A_57 = tpu.memref_squeeze %dma_wait3A_56 : memref<1x1x80x125xi32, #tpu.memory_space<hbm>> -> memref<80x125xi32, #tpu.memory_space<hbm>>
      tpu.wait_dma2 semaphore(%run_scoped3A_42 : memref<!tpu.dma_semaphore, #tpu.memory_space<semaphore_mem>>) src(%dma_wait3A_57 : memref<80x125xi32, #tpu.memory_space<hbm>>) dst(%arg8 : memref<80x125xi32, #tpu.memory_space<vmem>>)
      tpu.yield
    }) : () -> ()
    %run_scoped3A = arith.constant 0 : i32
    %run_scoped3A_1 = arith.constant 0 : i32
    "tpu.region"() ({
      %run_scoped3A_42 = tpu.sem_alloc : memref<!tpu.dma_semaphore, #tpu.memory_space<semaphore_mem>>
      %dma_start3A_43 = arith.constant 0 : i32
      %dma_start3A_44 = arith.constant 0 : i32
      %dma_start3A_45 = tpu.memref_slice %arg7[%run_scoped3A_1, %dma_start3A_43, %dma_start3A_44] : memref<2x8x125xi32, #tpu.memory_space<vmem>> -> memref<1x8x125xi32, #tpu.memory_space<vmem>>
      %dma_start3A_46 = tpu.memref_squeeze %dma_start3A_45 : memref<1x8x125xi32, #tpu.memory_space<vmem>> -> memref<8x125xi32, #tpu.memory_space<vmem>>
      %dma_start3A_47 = arith.constant 0 : i32
      %dma_start3A_48 = arith.constant 0 : i32
      %dma_start3A_49 = tpu.memref_slice %arg3[%arg0, %arg1, %run_scoped3A, %dma_start3A_47, %dma_start3A_48] : memref<2x16x10x8x125xi32, #tpu.memory_space<hbm>> -> memref<1x1x1x8x125xi32, #tpu.memory_space<hbm>>
      %dma_start3A_50 = tpu.memref_squeeze %dma_start3A_49 : memref<1x1x1x8x125xi32, #tpu.memory_space<hbm>> -> memref<8x125xi32, #tpu.memory_space<hbm>>
      %dma_start3A_51 = arith.constant 0 : i32
      %dma_start3A_52 = arith.constant 0 : i32
      %dma_start3A_53 = tpu.memref_slice %arg7[%run_scoped3A_1, %dma_start3A_51, %dma_start3A_52] : memref<2x8x125xi32, #tpu.memory_space<vmem>> -> memref<1x8x125xi32, #tpu.memory_space<vmem>>
      %dma_start3A_54 = tpu.memref_squeeze %dma_start3A_53 : memref<1x8x125xi32, #tpu.memory_space<vmem>> -> memref<8x125xi32, #tpu.memory_space<vmem>>
      %dma_start3A_55 = arith.constant 0 : i32
      %dma_start3A_56 = arith.constant 0 : i32
      %dma_start3A_57 = tpu.memref_slice %arg3[%arg0, %arg1, %run_scoped3A, %dma_start3A_55, %dma_start3A_56] : memref<2x16x10x8x125xi32, #tpu.memory_space<hbm>> -> memref<1x1x1x8x125xi32, #tpu.memory_space<hbm>>
      %dma_start3A_58 = tpu.memref_squeeze %dma_start3A_57 : memref<1x1x1x8x125xi32, #tpu.memory_space<hbm>> -> memref<8x125xi32, #tpu.memory_space<hbm>>
      tpu.enqueue_dma source(%dma_start3A_58 : memref<8x125xi32, #tpu.memory_space<hbm>>) target(%dma_start3A_54 : memref<8x125xi32, #tpu.memory_space<vmem>>) target_semaphore(%run_scoped3A_42 : memref<!tpu.dma_semaphore, #tpu.memory_space<semaphore_mem>>)
      %dma_wait3A = arith.constant 0 : i32
      %dma_wait3A_59 = arith.constant 0 : i32
      %dma_wait3A_60 = tpu.memref_slice %arg7[%run_scoped3A_1, %dma_wait3A, %dma_wait3A_59] : memref<2x8x125xi32, #tpu.memory_space<vmem>> -> memref<1x8x125xi32, #tpu.memory_space<vmem>>
      %dma_wait3A_61 = tpu.memref_squeeze %dma_wait3A_60 : memref<1x8x125xi32, #tpu.memory_space<vmem>> -> memref<8x125xi32, #tpu.memory_space<vmem>>
      %dma_wait3A_62 = arith.constant 0 : i32
      %dma_wait3A_63 = arith.constant 0 : i32
      %dma_wait3A_64 = tpu.memref_slice %arg3[%arg0, %arg1, %run_scoped3A, %dma_wait3A_62, %dma_wait3A_63] : memref<2x16x10x8x125xi32, #tpu.memory_space<hbm>> -> memref<1x1x1x8x125xi32, #tpu.memory_space<hbm>>
      %dma_wait3A_65 = tpu.memref_squeeze %dma_wait3A_64 : memref<1x1x1x8x125xi32, #tpu.memory_space<hbm>> -> memref<8x125xi32, #tpu.memory_space<hbm>>
      %dma_wait3A_66 = arith.constant 0 : i32
      %dma_wait3A_67 = arith.constant 0 : i32
      %dma_wait3A_68 = tpu.memref_slice %arg7[%run_scoped3A_1, %dma_wait3A_66, %dma_wait3A_67] : memref<2x8x125xi32, #tpu.memory_space<vmem>> -> memref<1x8x125xi32, #tpu.memory_space<vmem>>
      %dma_wait3A_69 = tpu.memref_squeeze %dma_wait3A_68 : memref<1x8x125xi32, #tpu.memory_space<vmem>> -> memref<8x125xi32, #tpu.memory_space<vmem>>
      %dma_wait3A_70 = arith.constant 0 : i32
      %dma_wait3A_71 = arith.constant 0 : i32
      %dma_wait3A_72 = tpu.memref_slice %arg3[%arg0, %arg1, %run_scoped3A, %dma_wait3A_70, %dma_wait3A_71] : memref<2x16x10x8x125xi32, #tpu.memory_space<hbm>> -> memref<1x1x1x8x125xi32, #tpu.memory_space<hbm>>
      %dma_wait3A_73 = tpu.memref_squeeze %dma_wait3A_72 : memref<1x1x1x8x125xi32, #tpu.memory_space<hbm>> -> memref<8x125xi32, #tpu.memory_space<hbm>>
      tpu.wait_dma2 semaphore(%run_scoped3A_42 : memref<!tpu.dma_semaphore, #tpu.memory_space<semaphore_mem>>) src(%dma_wait3A_73 : memref<8x125xi32, #tpu.memory_space<hbm>>) dst(%dma_wait3A_69 : memref<8x125xi32, #tpu.memory_space<vmem>>)
      tpu.yield
    }) : () -> ()
    %barrier3A = arith.constant 0 : index
    tpu.barrier barrier_id(%barrier3A)
    %dma_start3A = arith.constant 0 : i32
    %dma_start3A_2 = arith.constant 0 : i32
    %dma_start3A_3 = arith.constant 0 : i32
    %dma_start3A_4 = arith.constant 0 : i32
    %dma_start3A_5 = arith.constant 0 : i32
    %dma_start3A_6 = arith.constant 0 : i32
    %dma_start3A_7 = tpu.memref_slice %arg9[%dma_start3A_3, %dma_start3A_5, %dma_start3A_6] : memref<2x125x128xf32, #tpu.memory_space<vmem>> -> memref<1x125x128xf32, #tpu.memory_space<vmem>>
    %dma_start3A_8 = tpu.memref_squeeze %dma_start3A_7 : memref<1x125x128xf32, #tpu.memory_space<vmem>> -> memref<125x128xf32, #tpu.memory_space<vmem>>
    %dma_start3A_9 = arith.constant 0 : i32
    %dma_start3A_10 = tpu.memref_slice %arg7[%dma_start3A, %dma_start3A_2, %dma_start3A_9] : memref<2x8x125xi32, #tpu.memory_space<vmem>> -> memref<1x1x125xi32, #tpu.memory_space<vmem>>
    %dma_start3A_11 = tpu.memref_squeeze %dma_start3A_10 : memref<1x1x125xi32, #tpu.memory_space<vmem>> -> memref<125xi32, #tpu.memory_space<vmem>>
    %dma_start3A_12 = arith.constant 0 : i32
    %dma_start3A_13 = arith.constant 0 : i32
    %dma_start3A_14 = tpu.memref_slice %arg2[%dma_start3A_12, %dma_start3A_13] : memref<10000x128xf32, #tpu.memory_space<hbm>> -> memref<10000x128xf32, #tpu.memory_space<hbm>>
    %dma_start3A_15 = tpu.memref_slice %arg10[%dma_start3A_4] : memref<2x!tpu.dma_semaphore, #tpu.memory_space<semaphore_mem>> -> memref<1x!tpu.dma_semaphore, #tpu.memory_space<semaphore_mem>>
    %dma_start3A_16 = tpu.memref_squeeze %dma_start3A_15 : memref<1x!tpu.dma_semaphore, #tpu.memory_space<semaphore_mem>> -> memref<!tpu.dma_semaphore, #tpu.memory_space<semaphore_mem>>
    tpu.enqueue_indirect_dma source(%dma_start3A_14 : memref<10000x128xf32, #tpu.memory_space<hbm>>) target(%dma_start3A_8 : memref<125x128xf32, #tpu.memory_space<vmem>>) offsets(%dma_start3A_11 : memref<125xi32, #tpu.memory_space<vmem>>) semaphore(%dma_start3A_16 : memref<!tpu.dma_semaphore, #tpu.memory_space<semaphore_mem>>)
    %dma_start3A_17 = arith.constant 0 : i32
    %dma_start3A_18 = arith.constant 1 : i32
    %dma_start3A_19 = arith.constant 1 : i32
    %dma_start3A_20 = arith.constant 1 : i32
    %dma_start3A_21 = arith.constant 0 : i32
    %dma_start3A_22 = arith.constant 0 : i32
    %dma_start3A_23 = tpu.memref_slice %arg9[%dma_start3A_19, %dma_start3A_21, %dma_start3A_22] : memref<2x125x128xf32, #tpu.memory_space<vmem>> -> memref<1x125x128xf32, #tpu.memory_space<vmem>>
    %dma_start3A_24 = tpu.memref_squeeze %dma_start3A_23 : memref<1x125x128xf32, #tpu.memory_space<vmem>> -> memref<125x128xf32, #tpu.memory_space<vmem>>
    %dma_start3A_25 = arith.constant 0 : i32
    %dma_start3A_26 = tpu.memref_slice %arg7[%dma_start3A_17, %dma_start3A_18, %dma_start3A_25] : memref<2x8x125xi32, #tpu.memory_space<vmem>> -> memref<1x1x125xi32, #tpu.memory_space<vmem>>
    %dma_start3A_27 = tpu.memref_squeeze %dma_start3A_26 : memref<1x1x125xi32, #tpu.memory_space<vmem>> -> memref<125xi32, #tpu.memory_space<vmem>>
    %dma_start3A_28 = arith.constant 0 : i32
    %dma_start3A_29 = arith.constant 0 : i32
    %dma_start3A_30 = tpu.memref_slice %arg2[%dma_start3A_28, %dma_start3A_29] : memref<10000x128xf32, #tpu.memory_space<hbm>> -> memref<10000x128xf32, #tpu.memory_space<hbm>>
    %dma_start3A_31 = tpu.memref_slice %arg10[%dma_start3A_20] : memref<2x!tpu.dma_semaphore, #tpu.memory_space<semaphore_mem>> -> memref<1x!tpu.dma_semaphore, #tpu.memory_space<semaphore_mem>>
    %dma_start3A_32 = tpu.memref_squeeze %dma_start3A_31 : memref<1x!tpu.dma_semaphore, #tpu.memory_space<semaphore_mem>> -> memref<!tpu.dma_semaphore, #tpu.memory_space<semaphore_mem>>
    tpu.enqueue_indirect_dma source(%dma_start3A_30 : memref<10000x128xf32, #tpu.memory_space<hbm>>) target(%dma_start3A_24 : memref<125x128xf32, #tpu.memory_space<vmem>>) offsets(%dma_start3A_27 : memref<125xi32, #tpu.memory_space<vmem>>) semaphore(%dma_start3A_32 : memref<!tpu.dma_semaphore, #tpu.memory_space<semaphore_mem>>)
    %scan3A = arith.constant 0 : i32
    %scan3A_33 = arith.constant 80 : i32
    %scan3A_34 = arith.addi %scan3A, %scan3A_33 : i32
    %scan3A_35 = arith.constant 1 : i32
    scf.for %scan3A_42 = %scan3A to %scan3A_34 step %scan3A_35  : i32 {
      %jit3A = arith.constant 2 : i32
      %eq3A = arith.constant 0 : i32
      %eq3A_43 = arith.cmpi eq, %jit3A, %eq3A : i32
      %jit3A_44 = arith.constant 1 : i32
      %select_n3A = arith.select %eq3A_43, %jit3A_44, %jit3A : i32
      %rem3A = arith.remsi %scan3A_42, %select_n3A : i32
      %ne3A = arith.constant 0 : i32
      %ne3A_45 = arith.cmpi ne, %rem3A, %ne3A : i32
      %lt3A = arith.constant 0 : i32
      %lt3A_46 = arith.cmpi slt, %rem3A, %lt3A : i32
      %lt3A_47 = arith.constant 0 : i32
      %lt3A_48 = arith.cmpi slt, %select_n3A, %lt3A_47 : i32
      %ne3A_49 = arith.xori %lt3A_46, %lt3A_48 : i1
      %and3A = arith.andi %ne3A_49, %ne3A_45 : i1
      %add3A = arith.addi %rem3A, %select_n3A : i32
      %select_n3A_50 = arith.select %and3A, %add3A, %rem3A : i32
      %jit3A_51 = arith.constant 8 : i32
      %div3A = arith.divsi %scan3A_42, %jit3A_51 : i32
      %sign3A = arith.constant 0 : i32
      %sign3A_52 = arith.cmpi sgt, %scan3A_42, %sign3A : i32
      %sign3A_53 = arith.extui %sign3A_52 : i1 to i32
      %sign3A_54 = arith.constant 0 : i32
      %sign3A_55 = arith.cmpi slt, %scan3A_42, %sign3A_54 : i32
      %sign3A_56 = arith.extui %sign3A_55 : i1 to i32
      %sign3A_57 = arith.subi %sign3A_53, %sign3A_56 : i32
      %sign3A_58 = arith.constant 0 : i32
      %sign3A_59 = arith.cmpi sgt, %jit3A_51, %sign3A_58 : i32
      %sign3A_60 = arith.extui %sign3A_59 : i1 to i32
      %sign3A_61 = arith.constant 0 : i32
      %sign3A_62 = arith.cmpi slt, %jit3A_51, %sign3A_61 : i32
      %sign3A_63 = arith.extui %sign3A_62 : i1 to i32
      %sign3A_64 = arith.subi %sign3A_60, %sign3A_63 : i32
      %ne3A_65 = arith.cmpi ne, %sign3A_57, %sign3A_64 : i32
      %rem3A_66 = arith.remsi %scan3A_42, %jit3A_51 : i32
      %ne3A_67 = arith.constant 0 : i32
      %ne3A_68 = arith.cmpi ne, %rem3A_66, %ne3A_67 : i32
      %and3A_69 = arith.andi %ne3A_65, %ne3A_68 : i1
      %sub3A = arith.constant 1 : i32
      %sub3A_70 = arith.subi %div3A, %sub3A : i32
      %select_n3A_71 = arith.select %and3A_69, %sub3A_70, %div3A : i32
      %jit3A_72 = arith.constant 8 : i32
      %eq3A_73 = arith.constant 0 : i32
      %eq3A_74 = arith.cmpi eq, %jit3A_72, %eq3A_73 : i32
      %jit3A_75 = arith.constant 1 : i32
      %select_n3A_76 = arith.select %eq3A_74, %jit3A_75, %jit3A_72 : i32
      %rem3A_77 = arith.remsi %scan3A_42, %select_n3A_76 : i32
      %ne3A_78 = arith.constant 0 : i32
      %ne3A_79 = arith.cmpi ne, %rem3A_77, %ne3A_78 : i32
      %lt3A_80 = arith.constant 0 : i32
      %lt3A_81 = arith.cmpi slt, %rem3A_77, %lt3A_80 : i32
      %lt3A_82 = arith.constant 0 : i32
      %lt3A_83 = arith.cmpi slt, %select_n3A_76, %lt3A_82 : i32
      %ne3A_84 = arith.xori %lt3A_81, %lt3A_83 : i1
      %and3A_85 = arith.andi %ne3A_84, %ne3A_79 : i1
      %add3A_86 = arith.addi %rem3A_77, %select_n3A_76 : i32
      %select_n3A_87 = arith.select %and3A_85, %add3A_86, %rem3A_77 : i32
      %eq3A_88 = arith.constant 0 : i32
      %eq3A_89 = arith.cmpi eq, %select_n3A_87, %eq3A_88 : i32
      %add3A_90 = arith.constant 1 : i32
      %add3A_91 = arith.addi %select_n3A_71, %add3A_90 : i32
      %lt3A_92 = arith.constant 10 : i32
      %lt3A_93 = arith.cmpi slt, %add3A_91, %lt3A_92 : i32
      %and3A_94 = arith.andi %eq3A_89, %lt3A_93 : i1
      %convert_element_type3A = arith.extui %and3A_94 : i1 to i32
      %cond3A = arith.constant 0 : i32
      %cond3A_95 = arith.cmpi ne, %convert_element_type3A, %cond3A : i32
      scf.if %cond3A_95 {
        %add3A_180 = arith.constant 1 : i32
        %add3A_181 = arith.addi %select_n3A_71, %add3A_180 : i32
        %add3A_182 = arith.constant 1 : i32
        %add3A_183 = arith.addi %select_n3A_71, %add3A_182 : i32
        %jit3A_184 = arith.constant 2 : i32
        %eq3A_185 = arith.constant 0 : i32
        %eq3A_186 = arith.cmpi eq, %jit3A_184, %eq3A_185 : i32
        %jit3A_187 = arith.constant 1 : i32
        %select_n3A_188 = arith.select %eq3A_186, %jit3A_187, %jit3A_184 : i32
        %rem3A_189 = arith.remsi %add3A_183, %select_n3A_188 : i32
        %ne3A_190 = arith.constant 0 : i32
        %ne3A_191 = arith.cmpi ne, %rem3A_189, %ne3A_190 : i32
        %lt3A_192 = arith.constant 0 : i32
        %lt3A_193 = arith.cmpi slt, %rem3A_189, %lt3A_192 : i32
        %lt3A_194 = arith.constant 0 : i32
        %lt3A_195 = arith.cmpi slt, %select_n3A_188, %lt3A_194 : i32
        %ne3A_196 = arith.xori %lt3A_193, %lt3A_195 : i1
        %and3A_197 = arith.andi %ne3A_196, %ne3A_191 : i1
        %add3A_198 = arith.addi %rem3A_189, %select_n3A_188 : i32
        %select_n3A_199 = arith.select %and3A_197, %add3A_198, %rem3A_189 : i32
        %add3A_200 = arith.constant 1 : i32
        %add3A_201 = arith.addi %select_n3A_71, %add3A_200 : i32
        %jit3A_202 = arith.constant 2 : i32
        %eq3A_203 = arith.constant 0 : i32
        %eq3A_204 = arith.cmpi eq, %jit3A_202, %eq3A_203 : i32
        %jit3A_205 = arith.constant 1 : i32
        %select_n3A_206 = arith.select %eq3A_204, %jit3A_205, %jit3A_202 : i32
        %rem3A_207 = arith.remsi %add3A_201, %select_n3A_206 : i32
        %ne3A_208 = arith.constant 0 : i32
        %ne3A_209 = arith.cmpi ne, %rem3A_207, %ne3A_208 : i32
        %lt3A_210 = arith.constant 0 : i32
        %lt3A_211 = arith.cmpi slt, %rem3A_207, %lt3A_210 : i32
        %lt3A_212 = arith.constant 0 : i32
        %lt3A_213 = arith.cmpi slt, %select_n3A_206, %lt3A_212 : i32
        %ne3A_214 = arith.xori %lt3A_211, %lt3A_213 : i1
        %and3A_215 = arith.andi %ne3A_214, %ne3A_209 : i1
        %add3A_216 = arith.addi %rem3A_207, %select_n3A_206 : i32
        %select_n3A_217 = arith.select %and3A_215, %add3A_216, %rem3A_207 : i32
        %dma_start3A_218 = arith.constant 0 : i32
        %dma_start3A_219 = arith.constant 0 : i32
        %dma_start3A_220 = tpu.memref_slice %arg7[%select_n3A_199, %dma_start3A_218, %dma_start3A_219] : memref<2x8x125xi32, #tpu.memory_space<vmem>> -> memref<1x8x125xi32, #tpu.memory_space<vmem>>
        %dma_start3A_221 = tpu.memref_squeeze %dma_start3A_220 : memref<1x8x125xi32, #tpu.memory_space<vmem>> -> memref<8x125xi32, #tpu.memory_space<vmem>>
        %dma_start3A_222 = arith.constant 0 : i32
        %dma_start3A_223 = arith.constant 0 : i32
        %dma_start3A_224 = tpu.memref_slice %arg3[%arg0, %arg1, %add3A_181, %dma_start3A_222, %dma_start3A_223] : memref<2x16x10x8x125xi32, #tpu.memory_space<hbm>> -> memref<1x1x1x8x125xi32, #tpu.memory_space<hbm>>
        %dma_start3A_225 = tpu.memref_squeeze %dma_start3A_224 : memref<1x1x1x8x125xi32, #tpu.memory_space<hbm>> -> memref<8x125xi32, #tpu.memory_space<hbm>>
        %dma_start3A_226 = tpu.memref_slice %arg11[%select_n3A_217] : memref<2x!tpu.dma_semaphore, #tpu.memory_space<semaphore_mem>> -> memref<1x!tpu.dma_semaphore, #tpu.memory_space<semaphore_mem>>
        %dma_start3A_227 = tpu.memref_squeeze %dma_start3A_226 : memref<1x!tpu.dma_semaphore, #tpu.memory_space<semaphore_mem>> -> memref<!tpu.dma_semaphore, #tpu.memory_space<semaphore_mem>>
        %dma_start3A_228 = arith.constant 0 : i32
        %dma_start3A_229 = arith.constant 0 : i32
        %dma_start3A_230 = tpu.memref_slice %arg7[%select_n3A_199, %dma_start3A_228, %dma_start3A_229] : memref<2x8x125xi32, #tpu.memory_space<vmem>> -> memref<1x8x125xi32, #tpu.memory_space<vmem>>
        %dma_start3A_231 = tpu.memref_squeeze %dma_start3A_230 : memref<1x8x125xi32, #tpu.memory_space<vmem>> -> memref<8x125xi32, #tpu.memory_space<vmem>>
        %dma_start3A_232 = arith.constant 0 : i32
        %dma_start3A_233 = arith.constant 0 : i32
        %dma_start3A_234 = tpu.memref_slice %arg3[%arg0, %arg1, %add3A_181, %dma_start3A_232, %dma_start3A_233] : memref<2x16x10x8x125xi32, #tpu.memory_space<hbm>> -> memref<1x1x1x8x125xi32, #tpu.memory_space<hbm>>
        %dma_start3A_235 = tpu.memref_squeeze %dma_start3A_234 : memref<1x1x1x8x125xi32, #tpu.memory_space<hbm>> -> memref<8x125xi32, #tpu.memory_space<hbm>>
        tpu.enqueue_dma source(%dma_start3A_235 : memref<8x125xi32, #tpu.memory_space<hbm>>) target(%dma_start3A_231 : memref<8x125xi32, #tpu.memory_space<vmem>>) target_semaphore(%dma_start3A_227 : memref<!tpu.dma_semaphore, #tpu.memory_space<semaphore_mem>>)
      } else {
      }
      %eq3A_96 = arith.constant 6 : i32
      %eq3A_97 = arith.cmpi eq, %select_n3A_87, %eq3A_96 : i32
      %add3A_98 = arith.constant 1 : i32
      %add3A_99 = arith.addi %select_n3A_71, %add3A_98 : i32
      %lt3A_100 = arith.constant 10 : i32
      %lt3A_101 = arith.cmpi slt, %add3A_99, %lt3A_100 : i32
      %and3A_102 = arith.andi %eq3A_97, %lt3A_101 : i1
      %convert_element_type3A_103 = arith.extui %and3A_102 : i1 to i32
      %cond3A_104 = arith.constant 0 : i32
      %cond3A_105 = arith.cmpi ne, %convert_element_type3A_103, %cond3A_104 : i32
      scf.if %cond3A_105 {
        %add3A_180 = arith.constant 1 : i32
        %add3A_181 = arith.addi %select_n3A_71, %add3A_180 : i32
        %add3A_182 = arith.constant 1 : i32
        %add3A_183 = arith.addi %select_n3A_71, %add3A_182 : i32
        %jit3A_184 = arith.constant 2 : i32
        %eq3A_185 = arith.constant 0 : i32
        %eq3A_186 = arith.cmpi eq, %jit3A_184, %eq3A_185 : i32
        %jit3A_187 = arith.constant 1 : i32
        %select_n3A_188 = arith.select %eq3A_186, %jit3A_187, %jit3A_184 : i32
        %rem3A_189 = arith.remsi %add3A_183, %select_n3A_188 : i32
        %ne3A_190 = arith.constant 0 : i32
        %ne3A_191 = arith.cmpi ne, %rem3A_189, %ne3A_190 : i32
        %lt3A_192 = arith.constant 0 : i32
        %lt3A_193 = arith.cmpi slt, %rem3A_189, %lt3A_192 : i32
        %lt3A_194 = arith.constant 0 : i32
        %lt3A_195 = arith.cmpi slt, %select_n3A_188, %lt3A_194 : i32
        %ne3A_196 = arith.xori %lt3A_193, %lt3A_195 : i1
        %and3A_197 = arith.andi %ne3A_196, %ne3A_191 : i1
        %add3A_198 = arith.addi %rem3A_189, %select_n3A_188 : i32
        %select_n3A_199 = arith.select %and3A_197, %add3A_198, %rem3A_189 : i32
        %add3A_200 = arith.constant 1 : i32
        %add3A_201 = arith.addi %select_n3A_71, %add3A_200 : i32
        %jit3A_202 = arith.constant 2 : i32
        %eq3A_203 = arith.constant 0 : i32
        %eq3A_204 = arith.cmpi eq, %jit3A_202, %eq3A_203 : i32
        %jit3A_205 = arith.constant 1 : i32
        %select_n3A_206 = arith.select %eq3A_204, %jit3A_205, %jit3A_202 : i32
        %rem3A_207 = arith.remsi %add3A_201, %select_n3A_206 : i32
        %ne3A_208 = arith.constant 0 : i32
        %ne3A_209 = arith.cmpi ne, %rem3A_207, %ne3A_208 : i32
        %lt3A_210 = arith.constant 0 : i32
        %lt3A_211 = arith.cmpi slt, %rem3A_207, %lt3A_210 : i32
        %lt3A_212 = arith.constant 0 : i32
        %lt3A_213 = arith.cmpi slt, %select_n3A_206, %lt3A_212 : i32
        %ne3A_214 = arith.xori %lt3A_211, %lt3A_213 : i1
        %and3A_215 = arith.andi %ne3A_214, %ne3A_209 : i1
        %add3A_216 = arith.addi %rem3A_207, %select_n3A_206 : i32
        %select_n3A_217 = arith.select %and3A_215, %add3A_216, %rem3A_207 : i32
        %dma_wait3A_218 = arith.constant 0 : i32
        %dma_wait3A_219 = arith.constant 0 : i32
        %dma_wait3A_220 = tpu.memref_slice %arg7[%select_n3A_199, %dma_wait3A_218, %dma_wait3A_219] : memref<2x8x125xi32, #tpu.memory_space<vmem>> -> memref<1x8x125xi32, #tpu.memory_space<vmem>>
        %dma_wait3A_221 = tpu.memref_squeeze %dma_wait3A_220 : memref<1x8x125xi32, #tpu.memory_space<vmem>> -> memref<8x125xi32, #tpu.memory_space<vmem>>
        %dma_wait3A_222 = arith.constant 0 : i32
        %dma_wait3A_223 = arith.constant 0 : i32
        %dma_wait3A_224 = tpu.memref_slice %arg3[%arg0, %arg1, %add3A_181, %dma_wait3A_222, %dma_wait3A_223] : memref<2x16x10x8x125xi32, #tpu.memory_space<hbm>> -> memref<1x1x1x8x125xi32, #tpu.memory_space<hbm>>
        %dma_wait3A_225 = tpu.memref_squeeze %dma_wait3A_224 : memref<1x1x1x8x125xi32, #tpu.memory_space<hbm>> -> memref<8x125xi32, #tpu.memory_space<hbm>>
        %dma_wait3A_226 = tpu.memref_slice %arg11[%select_n3A_217] : memref<2x!tpu.dma_semaphore, #tpu.memory_space<semaphore_mem>> -> memref<1x!tpu.dma_semaphore, #tpu.memory_space<semaphore_mem>>
        %dma_wait3A_227 = tpu.memref_squeeze %dma_wait3A_226 : memref<1x!tpu.dma_semaphore, #tpu.memory_space<semaphore_mem>> -> memref<!tpu.dma_semaphore, #tpu.memory_space<semaphore_mem>>
        %dma_wait3A_228 = arith.constant 0 : i32
        %dma_wait3A_229 = arith.constant 0 : i32
        %dma_wait3A_230 = tpu.memref_slice %arg7[%select_n3A_199, %dma_wait3A_228, %dma_wait3A_229] : memref<2x8x125xi32, #tpu.memory_space<vmem>> -> memref<1x8x125xi32, #tpu.memory_space<vmem>>
        %dma_wait3A_231 = tpu.memref_squeeze %dma_wait3A_230 : memref<1x8x125xi32, #tpu.memory_space<vmem>> -> memref<8x125xi32, #tpu.memory_space<vmem>>
        %dma_wait3A_232 = arith.constant 0 : i32
        %dma_wait3A_233 = arith.constant 0 : i32
        %dma_wait3A_234 = tpu.memref_slice %arg3[%arg0, %arg1, %add3A_181, %dma_wait3A_232, %dma_wait3A_233] : memref<2x16x10x8x125xi32, #tpu.memory_space<hbm>> -> memref<1x1x1x8x125xi32, #tpu.memory_space<hbm>>
        %dma_wait3A_235 = tpu.memref_squeeze %dma_wait3A_234 : memref<1x1x1x8x125xi32, #tpu.memory_space<hbm>> -> memref<8x125xi32, #tpu.memory_space<hbm>>
        tpu.wait_dma2 semaphore(%dma_wait3A_227 : memref<!tpu.dma_semaphore, #tpu.memory_space<semaphore_mem>>) src(%dma_wait3A_235 : memref<8x125xi32, #tpu.memory_space<hbm>>) dst(%dma_wait3A_231 : memref<8x125xi32, #tpu.memory_space<vmem>>)
      } else {
      }
      %jit3A_106 = arith.constant 8 : i32
      %div3A_107 = arith.divsi %scan3A_42, %jit3A_106 : i32
      %sign3A_108 = arith.constant 0 : i32
      %sign3A_109 = arith.cmpi sgt, %scan3A_42, %sign3A_108 : i32
      %sign3A_110 = arith.extui %sign3A_109 : i1 to i32
      %sign3A_111 = arith.constant 0 : i32
      %sign3A_112 = arith.cmpi slt, %scan3A_42, %sign3A_111 : i32
      %sign3A_113 = arith.extui %sign3A_112 : i1 to i32
      %sign3A_114 = arith.subi %sign3A_110, %sign3A_113 : i32
      %sign3A_115 = arith.constant 0 : i32
      %sign3A_116 = arith.cmpi sgt, %jit3A_106, %sign3A_115 : i32
      %sign3A_117 = arith.extui %sign3A_116 : i1 to i32
      %sign3A_118 = arith.constant 0 : i32
      %sign3A_119 = arith.cmpi slt, %jit3A_106, %sign3A_118 : i32
      %sign3A_120 = arith.extui %sign3A_119 : i1 to i32
      %sign3A_121 = arith.subi %sign3A_117, %sign3A_120 : i32
      %ne3A_122 = arith.cmpi ne, %sign3A_114, %sign3A_121 : i32
      %rem3A_123 = arith.remsi %scan3A_42, %jit3A_106 : i32
      %ne3A_124 = arith.constant 0 : i32
      %ne3A_125 = arith.cmpi ne, %rem3A_123, %ne3A_124 : i32
      %and3A_126 = arith.andi %ne3A_122, %ne3A_125 : i1
      %sub3A_127 = arith.constant 1 : i32
      %sub3A_128 = arith.subi %div3A_107, %sub3A_127 : i32
      %select_n3A_129 = arith.select %and3A_126, %sub3A_128, %div3A_107 : i32
      %jit3A_130 = arith.constant 2 : i32
      %eq3A_131 = arith.constant 0 : i32
      %eq3A_132 = arith.cmpi eq, %jit3A_130, %eq3A_131 : i32
      %jit3A_133 = arith.constant 1 : i32
      %select_n3A_134 = arith.select %eq3A_132, %jit3A_133, %jit3A_130 : i32
      %rem3A_135 = arith.remsi %select_n3A_129, %select_n3A_134 : i32
      %ne3A_136 = arith.constant 0 : i32
      %ne3A_137 = arith.cmpi ne, %rem3A_135, %ne3A_136 : i32
      %lt3A_138 = arith.constant 0 : i32
      %lt3A_139 = arith.cmpi slt, %rem3A_135, %lt3A_138 : i32
      %lt3A_140 = arith.constant 0 : i32
      %lt3A_141 = arith.cmpi slt, %select_n3A_134, %lt3A_140 : i32
      %ne3A_142 = arith.xori %lt3A_139, %lt3A_141 : i1
      %and3A_143 = arith.andi %ne3A_142, %ne3A_137 : i1
      %add3A_144 = arith.addi %rem3A_135, %select_n3A_134 : i32
      %select_n3A_145 = arith.select %and3A_143, %add3A_144, %rem3A_135 : i32
      %jit3A_146 = arith.constant 8 : i32
      %eq3A_147 = arith.constant 0 : i32
      %eq3A_148 = arith.cmpi eq, %jit3A_146, %eq3A_147 : i32
      %jit3A_149 = arith.constant 1 : i32
      %select_n3A_150 = arith.select %eq3A_148, %jit3A_149, %jit3A_146 : i32
      %rem3A_151 = arith.remsi %scan3A_42, %select_n3A_150 : i32
      %ne3A_152 = arith.constant 0 : i32
      %ne3A_153 = arith.cmpi ne, %rem3A_151, %ne3A_152 : i32
      %lt3A_154 = arith.constant 0 : i32
      %lt3A_155 = arith.cmpi slt, %rem3A_151, %lt3A_154 : i32
      %lt3A_156 = arith.constant 0 : i32
      %lt3A_157 = arith.cmpi slt, %select_n3A_150, %lt3A_156 : i32
      %ne3A_158 = arith.xori %lt3A_155, %lt3A_157 : i1
      %and3A_159 = arith.andi %ne3A_158, %ne3A_153 : i1
      %add3A_160 = arith.addi %rem3A_151, %select_n3A_150 : i32
      %select_n3A_161 = arith.select %and3A_159, %add3A_160, %rem3A_151 : i32
      %dma_wait3A = arith.constant 0 : i32
      %dma_wait3A_162 = arith.constant 0 : i32
      %dma_wait3A_163 = tpu.memref_slice %arg9[%select_n3A_50, %dma_wait3A, %dma_wait3A_162] : memref<2x125x128xf32, #tpu.memory_space<vmem>> -> memref<1x125x128xf32, #tpu.memory_space<vmem>>
      %dma_wait3A_164 = tpu.memref_squeeze %dma_wait3A_163 : memref<1x125x128xf32, #tpu.memory_space<vmem>> -> memref<125x128xf32, #tpu.memory_space<vmem>>
      %dma_wait3A_165 = arith.constant 0 : i32
      %dma_wait3A_166 = tpu.memref_slice %arg7[%select_n3A_145, %select_n3A_161, %dma_wait3A_165] : memref<2x8x125xi32, #tpu.memory_space<vmem>> -> memref<1x1x125xi32, #tpu.memory_space<vmem>>
      %dma_wait3A_167 = tpu.memref_squeeze %dma_wait3A_166 : memref<1x1x125xi32, #tpu.memory_space<vmem>> -> memref<125xi32, #tpu.memory_space<vmem>>
      %dma_wait3A_168 = arith.constant 0 : i32
      %dma_wait3A_169 = arith.constant 0 : i32
      %dma_wait3A_170 = tpu.memref_slice %arg2[%dma_wait3A_168, %dma_wait3A_169] : memref<10000x128xf32, #tpu.memory_space<hbm>> -> memref<10000x128xf32, #tpu.memory_space<hbm>>
      %dma_wait3A_171 = tpu.memref_slice %arg10[%select_n3A_50] : memref<2x!tpu.dma_semaphore, #tpu.memory_space<semaphore_mem>> -> memref<1x!tpu.dma_semaphore, #tpu.memory_space<semaphore_mem>>
      %dma_wait3A_172 = tpu.memref_squeeze %dma_wait3A_171 : memref<1x!tpu.dma_semaphore, #tpu.memory_space<semaphore_mem>> -> memref<!tpu.dma_semaphore, #tpu.memory_space<semaphore_mem>>
      tpu.wait_indirect_dma semaphore(%dma_wait3A_172 : memref<!tpu.dma_semaphore, #tpu.memory_space<semaphore_mem>>) src(%dma_wait3A_170 : memref<10000x128xf32, #tpu.memory_space<hbm>>) dst(%dma_wait3A_164 : memref<125x128xf32, #tpu.memory_space<vmem>>)
      "tpu.region"() ({
        %run_scoped3A_180 = tpu.sem_alloc : memref<!tpu.dma_semaphore, #tpu.memory_space<semaphore_mem>>
        %dma_start3A_181 = arith.constant 0 : i32
        %dma_start3A_182 = arith.constant 0 : i32
        %dma_start3A_183 = tpu.memref_slice %arg9[%select_n3A_50, %dma_start3A_181, %dma_start3A_182] : memref<2x125x128xf32, #tpu.memory_space<vmem>> -> memref<1x125x128xf32, #tpu.memory_space<vmem>>
        %dma_start3A_184 = tpu.memref_squeeze %dma_start3A_183 : memref<1x125x128xf32, #tpu.memory_space<vmem>> -> memref<125x128xf32, #tpu.memory_space<vmem>>
        %dma_start3A_185 = arith.constant 0 : i32
        %dma_start3A_186 = tpu.memref_slice %arg8[%scan3A_42, %dma_start3A_185] : memref<80x125xi32, #tpu.memory_space<vmem>> -> memref<1x125xi32, #tpu.memory_space<vmem>>
        %dma_start3A_187 = tpu.memref_squeeze %dma_start3A_186 : memref<1x125xi32, #tpu.memory_space<vmem>> -> memref<125xi32, #tpu.memory_space<vmem>>
        %dma_start3A_188 = arith.constant 0 : i32
        %dma_start3A_189 = arith.constant 0 : i32
        %dma_start3A_190 = tpu.memref_slice %arg12[%dma_start3A_188, %dma_start3A_189] : memref<10112x128xf32, #tpu.memory_space<vmem_shared>> -> memref<10112x128xf32, #tpu.memory_space<vmem_shared>>
        tpu.enqueue_indirect_dma source(%dma_start3A_184 : memref<125x128xf32, #tpu.memory_space<vmem>>) target(%dma_start3A_190 : memref<10112x128xf32, #tpu.memory_space<vmem_shared>>) offsets(%dma_start3A_187 : memref<125xi32, #tpu.memory_space<vmem>>) semaphore(%run_scoped3A_180 : memref<!tpu.dma_semaphore, #tpu.memory_space<semaphore_mem>>) {add = true}
        %dma_wait3A_191 = arith.constant 0 : i32
        %dma_wait3A_192 = arith.constant 0 : i32
        %dma_wait3A_193 = tpu.memref_slice %arg9[%select_n3A_50, %dma_wait3A_191, %dma_wait3A_192] : memref<2x125x128xf32, #tpu.memory_space<vmem>> -> memref<1x125x128xf32, #tpu.memory_space<vmem>>
        %dma_wait3A_194 = tpu.memref_squeeze %dma_wait3A_193 : memref<1x125x128xf32, #tpu.memory_space<vmem>> -> memref<125x128xf32, #tpu.memory_space<vmem>>
        %dma_wait3A_195 = arith.constant 0 : i32
        %dma_wait3A_196 = tpu.memref_slice %arg8[%scan3A_42, %dma_wait3A_195] : memref<80x125xi32, #tpu.memory_space<vmem>> -> memref<1x125xi32, #tpu.memory_space<vmem>>
        %dma_wait3A_197 = tpu.memref_squeeze %dma_wait3A_196 : memref<1x125xi32, #tpu.memory_space<vmem>> -> memref<125xi32, #tpu.memory_space<vmem>>
        %dma_wait3A_198 = arith.constant 0 : i32
        %dma_wait3A_199 = arith.constant 0 : i32
        %dma_wait3A_200 = tpu.memref_slice %arg12[%dma_wait3A_198, %dma_wait3A_199] : memref<10112x128xf32, #tpu.memory_space<vmem_shared>> -> memref<10112x128xf32, #tpu.memory_space<vmem_shared>>
        tpu.wait_indirect_dma semaphore(%run_scoped3A_180 : memref<!tpu.dma_semaphore, #tpu.memory_space<semaphore_mem>>) src(%dma_wait3A_194 : memref<125x128xf32, #tpu.memory_space<vmem>>) dst(%dma_wait3A_200 : memref<10112x128xf32, #tpu.memory_space<vmem_shared>>)
        tpu.yield
      }) : () -> ()
      %add3A_173 = arith.constant 2 : i32
      %add3A_174 = arith.addi %scan3A_42, %add3A_173 : i32
      %lt3A_175 = arith.constant 80 : i32
      %lt3A_176 = arith.cmpi slt, %add3A_174, %lt3A_175 : i32
      %convert_element_type3A_177 = arith.extui %lt3A_176 : i1 to i32
      %cond3A_178 = arith.constant 0 : i32
      %cond3A_179 = arith.cmpi ne, %convert_element_type3A_177, %cond3A_178 : i32
      scf.if %cond3A_179 {
        %add3A_180 = arith.constant 2 : i32
        %add3A_181 = arith.addi %scan3A_42, %add3A_180 : i32
        %jit3A_182 = arith.constant 8 : i32
        %div3A_183 = arith.divsi %add3A_181, %jit3A_182 : i32
        %sign3A_184 = arith.constant 0 : i32
        %sign3A_185 = arith.cmpi sgt, %add3A_181, %sign3A_184 : i32
        %sign3A_186 = arith.extui %sign3A_185 : i1 to i32
        %sign3A_187 = arith.constant 0 : i32
        %sign3A_188 = arith.cmpi slt, %add3A_181, %sign3A_187 : i32
        %sign3A_189 = arith.extui %sign3A_188 : i1 to i32
        %sign3A_190 = arith.subi %sign3A_186, %sign3A_189 : i32
        %sign3A_191 = arith.constant 0 : i32
        %sign3A_192 = arith.cmpi sgt, %jit3A_182, %sign3A_191 : i32
        %sign3A_193 = arith.extui %sign3A_192 : i1 to i32
        %sign3A_194 = arith.constant 0 : i32
        %sign3A_195 = arith.cmpi slt, %jit3A_182, %sign3A_194 : i32
        %sign3A_196 = arith.extui %sign3A_195 : i1 to i32
        %sign3A_197 = arith.subi %sign3A_193, %sign3A_196 : i32
        %ne3A_198 = arith.cmpi ne, %sign3A_190, %sign3A_197 : i32
        %rem3A_199 = arith.remsi %add3A_181, %jit3A_182 : i32
        %ne3A_200 = arith.constant 0 : i32
        %ne3A_201 = arith.cmpi ne, %rem3A_199, %ne3A_200 : i32
        %and3A_202 = arith.andi %ne3A_198, %ne3A_201 : i1
        %sub3A_203 = arith.constant 1 : i32
        %sub3A_204 = arith.subi %div3A_183, %sub3A_203 : i32
        %select_n3A_205 = arith.select %and3A_202, %sub3A_204, %div3A_183 : i32
        %jit3A_206 = arith.constant 2 : i32
        %eq3A_207 = arith.constant 0 : i32
        %eq3A_208 = arith.cmpi eq, %jit3A_206, %eq3A_207 : i32
        %jit3A_209 = arith.constant 1 : i32
        %select_n3A_210 = arith.select %eq3A_208, %jit3A_209, %jit3A_206 : i32
        %rem3A_211 = arith.remsi %select_n3A_205, %select_n3A_210 : i32
        %ne3A_212 = arith.constant 0 : i32
        %ne3A_213 = arith.cmpi ne, %rem3A_211, %ne3A_212 : i32
        %lt3A_214 = arith.constant 0 : i32
        %lt3A_215 = arith.cmpi slt, %rem3A_211, %lt3A_214 : i32
        %lt3A_216 = arith.constant 0 : i32
        %lt3A_217 = arith.cmpi slt, %select_n3A_210, %lt3A_216 : i32
        %ne3A_218 = arith.xori %lt3A_215, %lt3A_217 : i1
        %and3A_219 = arith.andi %ne3A_218, %ne3A_213 : i1
        %add3A_220 = arith.addi %rem3A_211, %select_n3A_210 : i32
        %select_n3A_221 = arith.select %and3A_219, %add3A_220, %rem3A_211 : i32
        %jit3A_222 = arith.constant 8 : i32
        %eq3A_223 = arith.constant 0 : i32
        %eq3A_224 = arith.cmpi eq, %jit3A_222, %eq3A_223 : i32
        %jit3A_225 = arith.constant 1 : i32
        %select_n3A_226 = arith.select %eq3A_224, %jit3A_225, %jit3A_222 : i32
        %rem3A_227 = arith.remsi %add3A_181, %select_n3A_226 : i32
        %ne3A_228 = arith.constant 0 : i32
        %ne3A_229 = arith.cmpi ne, %rem3A_227, %ne3A_228 : i32
        %lt3A_230 = arith.constant 0 : i32
        %lt3A_231 = arith.cmpi slt, %rem3A_227, %lt3A_230 : i32
        %lt3A_232 = arith.constant 0 : i32
        %lt3A_233 = arith.cmpi slt, %select_n3A_226, %lt3A_232 : i32
        %ne3A_234 = arith.xori %lt3A_231, %lt3A_233 : i1
        %and3A_235 = arith.andi %ne3A_234, %ne3A_229 : i1
        %add3A_236 = arith.addi %rem3A_227, %select_n3A_226 : i32
        %select_n3A_237 = arith.select %and3A_235, %add3A_236, %rem3A_227 : i32
        %dma_start3A_238 = arith.constant 0 : i32
        %dma_start3A_239 = arith.constant 0 : i32
        %dma_start3A_240 = tpu.memref_slice %arg9[%select_n3A_50, %dma_start3A_238, %dma_start3A_239] : memref<2x125x128xf32, #tpu.memory_space<vmem>> -> memref<1x125x128xf32, #tpu.memory_space<vmem>>
        %dma_start3A_241 = tpu.memref_squeeze %dma_start3A_240 : memref<1x125x128xf32, #tpu.memory_space<vmem>> -> memref<125x128xf32, #tpu.memory_space<vmem>>
        %dma_start3A_242 = arith.constant 0 : i32
        %dma_start3A_243 = tpu.memref_slice %arg7[%select_n3A_221, %select_n3A_237, %dma_start3A_242] : memref<2x8x125xi32, #tpu.memory_space<vmem>> -> memref<1x1x125xi32, #tpu.memory_space<vmem>>
        %dma_start3A_244 = tpu.memref_squeeze %dma_start3A_243 : memref<1x1x125xi32, #tpu.memory_space<vmem>> -> memref<125xi32, #tpu.memory_space<vmem>>
        %dma_start3A_245 = arith.constant 0 : i32
        %dma_start3A_246 = arith.constant 0 : i32
        %dma_start3A_247 = tpu.memref_slice %arg2[%dma_start3A_245, %dma_start3A_246] : memref<10000x128xf32, #tpu.memory_space<hbm>> -> memref<10000x128xf32, #tpu.memory_space<hbm>>
        %dma_start3A_248 = tpu.memref_slice %arg10[%select_n3A_50] : memref<2x!tpu.dma_semaphore, #tpu.memory_space<semaphore_mem>> -> memref<1x!tpu.dma_semaphore, #tpu.memory_space<semaphore_mem>>
        %dma_start3A_249 = tpu.memref_squeeze %dma_start3A_248 : memref<1x!tpu.dma_semaphore, #tpu.memory_space<semaphore_mem>> -> memref<!tpu.dma_semaphore, #tpu.memory_space<semaphore_mem>>
        tpu.enqueue_indirect_dma source(%dma_start3A_247 : memref<10000x128xf32, #tpu.memory_space<hbm>>) target(%dma_start3A_241 : memref<125x128xf32, #tpu.memory_space<vmem>>) offsets(%dma_start3A_244 : memref<125xi32, #tpu.memory_space<vmem>>) semaphore(%dma_start3A_249 : memref<!tpu.dma_semaphore, #tpu.memory_space<semaphore_mem>>)
      } else {
      }
    }
    %scan3A_36 = arith.constant 80 : i32
    %barrier3A_37 = arith.constant 0 : index
    tpu.barrier barrier_id(%barrier3A_37)
    %mul3A_38 = arith.constant 632 : i32
    %mul3A_39 = arith.muli %arg1, %mul3A_38 : i32
    %mul3A_40 = arith.constant 632 : i32
    %mul3A_41 = arith.muli %arg1, %mul3A_40 : i32
    "tpu.region"() ({
      %run_scoped3A_42 = tpu.sem_alloc : memref<!tpu.dma_semaphore, #tpu.memory_space<semaphore_mem>>
      %dma_start3A_43 = arith.constant 0 : i32
      %dma_start3A_44 = tpu.memref_slice %arg6[%arg0, %mul3A_41, %dma_start3A_43] : memref<2x10112x128xf32, #tpu.memory_space<hbm>> -> memref<1x632x128xf32, #tpu.memory_space<hbm>>
      %dma_start3A_45 = tpu.memref_squeeze %dma_start3A_44 : memref<1x632x128xf32, #tpu.memory_space<hbm>> -> memref<632x128xf32, #tpu.memory_space<hbm>>
      %dma_start3A_46 = arith.constant 0 : i32
      %dma_start3A_47 = tpu.memref_slice %arg12[%mul3A_39, %dma_start3A_46] : memref<10112x128xf32, #tpu.memory_space<vmem_shared>> -> memref<632x128xf32, #tpu.memory_space<vmem_shared>>
      tpu.enqueue_dma source(%dma_start3A_47 : memref<632x128xf32, #tpu.memory_space<vmem_shared>>) target(%dma_start3A_45 : memref<632x128xf32, #tpu.memory_space<hbm>>) target_semaphore(%run_scoped3A_42 : memref<!tpu.dma_semaphore, #tpu.memory_space<semaphore_mem>>)
      %dma_wait3A = arith.constant 0 : i32
      %dma_wait3A_48 = tpu.memref_slice %arg6[%arg0, %mul3A_41, %dma_wait3A] : memref<2x10112x128xf32, #tpu.memory_space<hbm>> -> memref<1x632x128xf32, #tpu.memory_space<hbm>>
      %dma_wait3A_49 = tpu.memref_squeeze %dma_wait3A_48 : memref<1x632x128xf32, #tpu.memory_space<hbm>> -> memref<632x128xf32, #tpu.memory_space<hbm>>
      %dma_wait3A_50 = arith.constant 0 : i32
      %dma_wait3A_51 = tpu.memref_slice %arg12[%mul3A_39, %dma_wait3A_50] : memref<10112x128xf32, #tpu.memory_space<vmem_shared>> -> memref<632x128xf32, #tpu.memory_space<vmem_shared>>
      tpu.wait_dma2 semaphore(%run_scoped3A_42 : memref<!tpu.dma_semaphore, #tpu.memory_space<semaphore_mem>>) src(%dma_wait3A_51 : memref<632x128xf32, #tpu.memory_space<vmem_shared>>) dst(%dma_wait3A_49 : memref<632x128xf32, #tpu.memory_space<hbm>>)
      tpu.yield
    }) : () -> ()
    return
  }
}

#map = affine_map<(d0, d1) -> (0, 0)>
#map1 = affine_map<(d0, d1) -> (0, 0, 0, 0, 0)>
#map2 = affine_map<(d0, d1) -> (0, 0, 0, 0)>
#map3 = affine_map<(d0, d1) -> (0, 0, 0)>
module attributes {stable_mosaic.version = 14 : i64} {
  func.func @_prop_body(%arg0: i32, %arg1: i32, %arg2: memref<10000x128xf32, #tpu.memory_space<hbm>>, %arg3: memref<2x16x10x8x125xi32, #tpu.memory_space<hbm>>, %arg4: memref<2x16x80x125xi32, #tpu.memory_space<hbm>>, %arg5: memref<632x128xf32, #tpu.memory_space<hbm>>, %arg6: memref<2x10112x128xf32, #tpu.memory_space<hbm>>, %arg7: memref<2x8x125xi32, #tpu.memory_space<vmem>>, %arg8: memref<80x125xi32, #tpu.memory_space<vmem>>, %arg9: memref<2x125x128xf32, #tpu.memory_space<vmem>>, %arg10: memref<2x!tpu.dma_semaphore, #tpu.memory_space<semaphore_mem>>, %arg11: memref<2x!tpu.dma_semaphore, #tpu.memory_space<semaphore_mem>>, %arg12: memref<10112x128xf32, #tpu.memory_space<vmem_shared>>) attributes {dimension_semantics = [#tpu.dimension_semantics<core_parallel>, #tpu.dimension_semantics<subcore_parallel>], iteration_bounds = array<i64: 2, 16>, scalar_prefetch = 0 : i64, scratch_operands = 6 : i64, tpu.core_type = #tpu.core_type<sc_vector_subcore>, window_params = [{transform_indices = #map}, {transform_indices = #map1}, {transform_indices = #map2}, {transform_indices = #map}, {transform_indices = #map3}]} {
    %mul3A = arith.constant 632 : i32
    %mul3A_0 = arith.muli %arg1, %mul3A : i32
    "tpu.region"() ({
      %run_scoped3A_42 = tpu.sem_alloc : memref<!tpu.dma_semaphore, #tpu.memory_space<semaphore_mem>>
      %dma_start3A_43 = arith.constant 0 : i32
      %dma_start3A_44 = tpu.memref_slice %arg12[%mul3A_0, %dma_start3A_43] : memref<10112x128xf32, #tpu.memory_space<vmem_shared>> -> memref<632x128xf32, #tpu.memory_space<vmem_shared>>
      tpu.enqueue_dma source(%arg5 : memref<632x128xf32, #tpu.memory_space<hbm>>) target(%dma_start3A_44 : memref<632x128xf32, #tpu.memory_space<vmem_shared>>) target_semaphore(%run_scoped3A_42 : memref<!tpu.dma_semaphore, #tpu.memory_space<semaphore_mem>>)
      %dma_wait3A = arith.constant 0 : i32
      %dma_wait3A_45 = tpu.memref_slice %arg12[%mul3A_0, %dma_wait3A] : memref<10112x128xf32, #tpu.memory_space<vmem_shared>> -> memref<632x128xf32, #tpu.memory_space<vmem_shared>>
      tpu.wait_dma2 semaphore(%run_scoped3A_42 : memref<!tpu.dma_semaphore, #tpu.memory_space<semaphore_mem>>) src(%arg5 : memref<632x128xf32, #tpu.memory_space<hbm>>) dst(%dma_wait3A_45 : memref<632x128xf32, #tpu.memory_space<vmem_shared>>)
      tpu.yield
    }) : () -> ()
    "tpu.region"() ({
      %run_scoped3A_42 = tpu.sem_alloc : memref<!tpu.dma_semaphore, #tpu.memory_space<semaphore_mem>>
      %dma_start3A_43 = arith.constant 0 : i32
      %dma_start3A_44 = arith.constant 0 : i32
      %dma_start3A_45 = tpu.memref_slice %arg4[%arg0, %arg1, %dma_start3A_43, %dma_start3A_44] : memref<2x16x80x125xi32, #tpu.memory_space<hbm>> -> memref<1x1x80x125xi32, #tpu.memory_space<hbm>>
      %dma_start3A_46 = tpu.memref_squeeze %dma_start3A_45 : memref<1x1x80x125xi32, #tpu.memory_space<hbm>> -> memref<80x125xi32, #tpu.memory_space<hbm>>
      %dma_start3A_47 = arith.constant 0 : i32
      %dma_start3A_48 = arith.constant 0 : i32
      %dma_start3A_49 = tpu.memref_slice %arg4[%arg0, %arg1, %dma_start3A_47, %dma_start3A_48] : memref<2x16x80x125xi32, #tpu.memory_space<hbm>> -> memref<1x1x80x125xi32, #tpu.memory_space<hbm>>
      %dma_start3A_50 = tpu.memref_squeeze %dma_start3A_49 : memref<1x1x80x125xi32, #tpu.memory_space<hbm>> -> memref<80x125xi32, #tpu.memory_space<hbm>>
      tpu.enqueue_dma source(%dma_start3A_50 : memref<80x125xi32, #tpu.memory_space<hbm>>) target(%arg8 : memref<80x125xi32, #tpu.memory_space<vmem>>) target_semaphore(%run_scoped3A_42 : memref<!tpu.dma_semaphore, #tpu.memory_space<semaphore_mem>>)
      %dma_wait3A = arith.constant 0 : i32
      %dma_wait3A_51 = arith.constant 0 : i32
      %dma_wait3A_52 = tpu.memref_slice %arg4[%arg0, %arg1, %dma_wait3A, %dma_wait3A_51] : memref<2x16x80x125xi32, #tpu.memory_space<hbm>> -> memref<1x1x80x125xi32, #tpu.memory_space<hbm>>
      %dma_wait3A_53 = tpu.memref_squeeze %dma_wait3A_52 : memref<1x1x80x125xi32, #tpu.memory_space<hbm>> -> memref<80x125xi32, #tpu.memory_space<hbm>>
      %dma_wait3A_54 = arith.constant 0 : i32
      %dma_wait3A_55 = arith.constant 0 : i32
      %dma_wait3A_56 = tpu.memref_slice %arg4[%arg0, %arg1, %dma_wait3A_54, %dma_wait3A_55] : memref<2x16x80x125xi32, #tpu.memory_space<hbm>> -> memref<1x1x80x125xi32, #tpu.memory_space<hbm>>
      %dma_wait3A_57 = tpu.memref_squeeze %dma_wait3A_56 : memref<1x1x80x125xi32, #tpu.memory_space<hbm>> -> memref<80x125xi32, #tpu.memory_space<hbm>>
      tpu.wait_dma2 semaphore(%run_scoped3A_42 : memref<!tpu.dma_semaphore, #tpu.memory_space<semaphore_mem>>) src(%dma_wait3A_57 : memref<80x125xi32, #tpu.memory_space<hbm>>) dst(%arg8 : memref<80x125xi32, #tpu.memory_space<vmem>>)
      tpu.yield
    }) : () -> ()
    %run_scoped3A = arith.constant 0 : i32
    %run_scoped3A_1 = arith.constant 0 : i32
    "tpu.region"() ({
      %run_scoped3A_42 = tpu.sem_alloc : memref<!tpu.dma_semaphore, #tpu.memory_space<semaphore_mem>>
      %dma_start3A_43 = arith.constant 0 : i32
      %dma_start3A_44 = arith.constant 0 : i32
      %dma_start3A_45 = tpu.memref_slice %arg7[%run_scoped3A_1, %dma_start3A_43, %dma_start3A_44] : memref<2x8x125xi32, #tpu.memory_space<vmem>> -> memref<1x8x125xi32, #tpu.memory_space<vmem>>
      %dma_start3A_46 = tpu.memref_squeeze %dma_start3A_45 : memref<1x8x125xi32, #tpu.memory_space<vmem>> -> memref<8x125xi32, #tpu.memory_space<vmem>>
      %dma_start3A_47 = arith.constant 0 : i32
      %dma_start3A_48 = arith.constant 0 : i32
      %dma_start3A_49 = tpu.memref_slice %arg3[%arg0, %arg1, %run_scoped3A, %dma_start3A_47, %dma_start3A_48] : memref<2x16x10x8x125xi32, #tpu.memory_space<hbm>> -> memref<1x1x1x8x125xi32, #tpu.memory_space<hbm>>
      %dma_start3A_50 = tpu.memref_squeeze %dma_start3A_49 : memref<1x1x1x8x125xi32, #tpu.memory_space<hbm>> -> memref<8x125xi32, #tpu.memory_space<hbm>>
      %dma_start3A_51 = arith.constant 0 : i32
      %dma_start3A_52 = arith.constant 0 : i32
      %dma_start3A_53 = tpu.memref_slice %arg7[%run_scoped3A_1, %dma_start3A_51, %dma_start3A_52] : memref<2x8x125xi32, #tpu.memory_space<vmem>> -> memref<1x8x125xi32, #tpu.memory_space<vmem>>
      %dma_start3A_54 = tpu.memref_squeeze %dma_start3A_53 : memref<1x8x125xi32, #tpu.memory_space<vmem>> -> memref<8x125xi32, #tpu.memory_space<vmem>>
      %dma_start3A_55 = arith.constant 0 : i32
      %dma_start3A_56 = arith.constant 0 : i32
      %dma_start3A_57 = tpu.memref_slice %arg3[%arg0, %arg1, %run_scoped3A, %dma_start3A_55, %dma_start3A_56] : memref<2x16x10x8x125xi32, #tpu.memory_space<hbm>> -> memref<1x1x1x8x125xi32, #tpu.memory_space<hbm>>
      %dma_start3A_58 = tpu.memref_squeeze %dma_start3A_57 : memref<1x1x1x8x125xi32, #tpu.memory_space<hbm>> -> memref<8x125xi32, #tpu.memory_space<hbm>>
      tpu.enqueue_dma source(%dma_start3A_58 : memref<8x125xi32, #tpu.memory_space<hbm>>) target(%dma_start3A_54 : memref<8x125xi32, #tpu.memory_space<vmem>>) target_semaphore(%run_scoped3A_42 : memref<!tpu.dma_semaphore, #tpu.memory_space<semaphore_mem>>)
      %dma_wait3A = arith.constant 0 : i32
      %dma_wait3A_59 = arith.constant 0 : i32
      %dma_wait3A_60 = tpu.memref_slice %arg7[%run_scoped3A_1, %dma_wait3A, %dma_wait3A_59] : memref<2x8x125xi32, #tpu.memory_space<vmem>> -> memref<1x8x125xi32, #tpu.memory_space<vmem>>
      %dma_wait3A_61 = tpu.memref_squeeze %dma_wait3A_60 : memref<1x8x125xi32, #tpu.memory_space<vmem>> -> memref<8x125xi32, #tpu.memory_space<vmem>>
      %dma_wait3A_62 = arith.constant 0 : i32
      %dma_wait3A_63 = arith.constant 0 : i32
      %dma_wait3A_64 = tpu.memref_slice %arg3[%arg0, %arg1, %run_scoped3A, %dma_wait3A_62, %dma_wait3A_63] : memref<2x16x10x8x125xi32, #tpu.memory_space<hbm>> -> memref<1x1x1x8x125xi32, #tpu.memory_space<hbm>>
      %dma_wait3A_65 = tpu.memref_squeeze %dma_wait3A_64 : memref<1x1x1x8x125xi32, #tpu.memory_space<hbm>> -> memref<8x125xi32, #tpu.memory_space<hbm>>
      %dma_wait3A_66 = arith.constant 0 : i32
      %dma_wait3A_67 = arith.constant 0 : i32
      %dma_wait3A_68 = tpu.memref_slice %arg7[%run_scoped3A_1, %dma_wait3A_66, %dma_wait3A_67] : memref<2x8x125xi32, #tpu.memory_space<vmem>> -> memref<1x8x125xi32, #tpu.memory_space<vmem>>
      %dma_wait3A_69 = tpu.memref_squeeze %dma_wait3A_68 : memref<1x8x125xi32, #tpu.memory_space<vmem>> -> memref<8x125xi32, #tpu.memory_space<vmem>>
      %dma_wait3A_70 = arith.constant 0 : i32
      %dma_wait3A_71 = arith.constant 0 : i32
      %dma_wait3A_72 = tpu.memref_slice %arg3[%arg0, %arg1, %run_scoped3A, %dma_wait3A_70, %dma_wait3A_71] : memref<2x16x10x8x125xi32, #tpu.memory_space<hbm>> -> memref<1x1x1x8x125xi32, #tpu.memory_space<hbm>>
      %dma_wait3A_73 = tpu.memref_squeeze %dma_wait3A_72 : memref<1x1x1x8x125xi32, #tpu.memory_space<hbm>> -> memref<8x125xi32, #tpu.memory_space<hbm>>
      tpu.wait_dma2 semaphore(%run_scoped3A_42 : memref<!tpu.dma_semaphore, #tpu.memory_space<semaphore_mem>>) src(%dma_wait3A_73 : memref<8x125xi32, #tpu.memory_space<hbm>>) dst(%dma_wait3A_69 : memref<8x125xi32, #tpu.memory_space<vmem>>)
      tpu.yield
    }) : () -> ()
    %barrier3A = arith.constant 0 : index
    tpu.barrier barrier_id(%barrier3A)
    %dma_start3A = arith.constant 0 : i32
    %dma_start3A_2 = arith.constant 0 : i32
    %dma_start3A_3 = arith.constant 0 : i32
    %dma_start3A_4 = arith.constant 0 : i32
    %dma_start3A_5 = arith.constant 0 : i32
    %dma_start3A_6 = arith.constant 0 : i32
    %dma_start3A_7 = tpu.memref_slice %arg9[%dma_start3A_3, %dma_start3A_5, %dma_start3A_6] : memref<2x125x128xf32, #tpu.memory_space<vmem>> -> memref<1x125x128xf32, #tpu.memory_space<vmem>>
    %dma_start3A_8 = tpu.memref_squeeze %dma_start3A_7 : memref<1x125x128xf32, #tpu.memory_space<vmem>> -> memref<125x128xf32, #tpu.memory_space<vmem>>
    %dma_start3A_9 = arith.constant 0 : i32
    %dma_start3A_10 = tpu.memref_slice %arg7[%dma_start3A, %dma_start3A_2, %dma_start3A_9] : memref<2x8x125xi32, #tpu.memory_space<vmem>> -> memref<1x1x125xi32, #tpu.memory_space<vmem>>
    %dma_start3A_11 = tpu.memref_squeeze %dma_start3A_10 : memref<1x1x125xi32, #tpu.memory_space<vmem>> -> memref<125xi32, #tpu.memory_space<vmem>>
    %dma_start3A_12 = arith.constant 0 : i32
    %dma_start3A_13 = arith.constant 0 : i32
    %dma_start3A_14 = tpu.memref_slice %arg2[%dma_start3A_12, %dma_start3A_13] : memref<10000x128xf32, #tpu.memory_space<hbm>> -> memref<10000x128xf32, #tpu.memory_space<hbm>>
    %dma_start3A_15 = tpu.memref_slice %arg10[%dma_start3A_4] : memref<2x!tpu.dma_semaphore, #tpu.memory_space<semaphore_mem>> -> memref<1x!tpu.dma_semaphore, #tpu.memory_space<semaphore_mem>>
    %dma_start3A_16 = tpu.memref_squeeze %dma_start3A_15 : memref<1x!tpu.dma_semaphore, #tpu.memory_space<semaphore_mem>> -> memref<!tpu.dma_semaphore, #tpu.memory_space<semaphore_mem>>
    tpu.enqueue_indirect_dma source(%dma_start3A_14 : memref<10000x128xf32, #tpu.memory_space<hbm>>) target(%dma_start3A_8 : memref<125x128xf32, #tpu.memory_space<vmem>>) offsets(%dma_start3A_11 : memref<125xi32, #tpu.memory_space<vmem>>) semaphore(%dma_start3A_16 : memref<!tpu.dma_semaphore, #tpu.memory_space<semaphore_mem>>)
    %dma_start3A_17 = arith.constant 0 : i32
    %dma_start3A_18 = arith.constant 1 : i32
    %dma_start3A_19 = arith.constant 1 : i32
    %dma_start3A_20 = arith.constant 1 : i32
    %dma_start3A_21 = arith.constant 0 : i32
    %dma_start3A_22 = arith.constant 0 : i32
    %dma_start3A_23 = tpu.memref_slice %arg9[%dma_start3A_19, %dma_start3A_21, %dma_start3A_22] : memref<2x125x128xf32, #tpu.memory_space<vmem>> -> memref<1x125x128xf32, #tpu.memory_space<vmem>>
    %dma_start3A_24 = tpu.memref_squeeze %dma_start3A_23 : memref<1x125x128xf32, #tpu.memory_space<vmem>> -> memref<125x128xf32, #tpu.memory_space<vmem>>
    %dma_start3A_25 = arith.constant 0 : i32
    %dma_start3A_26 = tpu.memref_slice %arg7[%dma_start3A_17, %dma_start3A_18, %dma_start3A_25] : memref<2x8x125xi32, #tpu.memory_space<vmem>> -> memref<1x1x125xi32, #tpu.memory_space<vmem>>
    %dma_start3A_27 = tpu.memref_squeeze %dma_start3A_26 : memref<1x1x125xi32, #tpu.memory_space<vmem>> -> memref<125xi32, #tpu.memory_space<vmem>>
    %dma_start3A_28 = arith.constant 0 : i32
    %dma_start3A_29 = arith.constant 0 : i32
    %dma_start3A_30 = tpu.memref_slice %arg2[%dma_start3A_28, %dma_start3A_29] : memref<10000x128xf32, #tpu.memory_space<hbm>> -> memref<10000x128xf32, #tpu.memory_space<hbm>>
    %dma_start3A_31 = tpu.memref_slice %arg10[%dma_start3A_20] : memref<2x!tpu.dma_semaphore, #tpu.memory_space<semaphore_mem>> -> memref<1x!tpu.dma_semaphore, #tpu.memory_space<semaphore_mem>>
    %dma_start3A_32 = tpu.memref_squeeze %dma_start3A_31 : memref<1x!tpu.dma_semaphore, #tpu.memory_space<semaphore_mem>> -> memref<!tpu.dma_semaphore, #tpu.memory_space<semaphore_mem>>
    tpu.enqueue_indirect_dma source(%dma_start3A_30 : memref<10000x128xf32, #tpu.memory_space<hbm>>) target(%dma_start3A_24 : memref<125x128xf32, #tpu.memory_space<vmem>>) offsets(%dma_start3A_27 : memref<125xi32, #tpu.memory_space<vmem>>) semaphore(%dma_start3A_32 : memref<!tpu.dma_semaphore, #tpu.memory_space<semaphore_mem>>)
    %scan3A = arith.constant 0 : i32
    %scan3A_33 = arith.constant 80 : i32
    %scan3A_34 = arith.addi %scan3A, %scan3A_33 : i32
    %scan3A_35 = arith.constant 1 : i32
    scf.for %scan3A_42 = %scan3A to %scan3A_34 step %scan3A_35  : i32 {
      %jit3A = arith.constant 2 : i32
      %eq3A = arith.constant 0 : i32
      %eq3A_43 = arith.cmpi eq, %jit3A, %eq3A : i32
      %jit3A_44 = arith.constant 1 : i32
      %select_n3A = arith.select %eq3A_43, %jit3A_44, %jit3A : i32
      %rem3A = arith.remsi %scan3A_42, %select_n3A : i32
      %ne3A = arith.constant 0 : i32
      %ne3A_45 = arith.cmpi ne, %rem3A, %ne3A : i32
      %lt3A = arith.constant 0 : i32
      %lt3A_46 = arith.cmpi slt, %rem3A, %lt3A : i32
      %lt3A_47 = arith.constant 0 : i32
      %lt3A_48 = arith.cmpi slt, %select_n3A, %lt3A_47 : i32
      %ne3A_49 = arith.xori %lt3A_46, %lt3A_48 : i1
      %and3A = arith.andi %ne3A_49, %ne3A_45 : i1
      %add3A = arith.addi %rem3A, %select_n3A : i32
      %select_n3A_50 = arith.select %and3A, %add3A, %rem3A : i32
      %jit3A_51 = arith.constant 8 : i32
      %div3A = arith.divsi %scan3A_42, %jit3A_51 : i32
      %sign3A = arith.constant 0 : i32
      %sign3A_52 = arith.cmpi sgt, %scan3A_42, %sign3A : i32
      %sign3A_53 = arith.extui %sign3A_52 : i1 to i32
      %sign3A_54 = arith.constant 0 : i32
      %sign3A_55 = arith.cmpi slt, %scan3A_42, %sign3A_54 : i32
      %sign3A_56 = arith.extui %sign3A_55 : i1 to i32
      %sign3A_57 = arith.subi %sign3A_53, %sign3A_56 : i32
      %sign3A_58 = arith.constant 0 : i32
      %sign3A_59 = arith.cmpi sgt, %jit3A_51, %sign3A_58 : i32
      %sign3A_60 = arith.extui %sign3A_59 : i1 to i32
      %sign3A_61 = arith.constant 0 : i32
      %sign3A_62 = arith.cmpi slt, %jit3A_51, %sign3A_61 : i32
      %sign3A_63 = arith.extui %sign3A_62 : i1 to i32
      %sign3A_64 = arith.subi %sign3A_60, %sign3A_63 : i32
      %ne3A_65 = arith.cmpi ne, %sign3A_57, %sign3A_64 : i32
      %rem3A_66 = arith.remsi %scan3A_42, %jit3A_51 : i32
      %ne3A_67 = arith.constant 0 : i32
      %ne3A_68 = arith.cmpi ne, %rem3A_66, %ne3A_67 : i32
      %and3A_69 = arith.andi %ne3A_65, %ne3A_68 : i1
      %sub3A = arith.constant 1 : i32
      %sub3A_70 = arith.subi %div3A, %sub3A : i32
      %select_n3A_71 = arith.select %and3A_69, %sub3A_70, %div3A : i32
      %jit3A_72 = arith.constant 8 : i32
      %eq3A_73 = arith.constant 0 : i32
      %eq3A_74 = arith.cmpi eq, %jit3A_72, %eq3A_73 : i32
      %jit3A_75 = arith.constant 1 : i32
      %select_n3A_76 = arith.select %eq3A_74, %jit3A_75, %jit3A_72 : i32
      %rem3A_77 = arith.remsi %scan3A_42, %select_n3A_76 : i32
      %ne3A_78 = arith.constant 0 : i32
      %ne3A_79 = arith.cmpi ne, %rem3A_77, %ne3A_78 : i32
      %lt3A_80 = arith.constant 0 : i32
      %lt3A_81 = arith.cmpi slt, %rem3A_77, %lt3A_80 : i32
      %lt3A_82 = arith.constant 0 : i32
      %lt3A_83 = arith.cmpi slt, %select_n3A_76, %lt3A_82 : i32
      %ne3A_84 = arith.xori %lt3A_81, %lt3A_83 : i1
      %and3A_85 = arith.andi %ne3A_84, %ne3A_79 : i1
      %add3A_86 = arith.addi %rem3A_77, %select_n3A_76 : i32
      %select_n3A_87 = arith.select %and3A_85, %add3A_86, %rem3A_77 : i32
      %eq3A_88 = arith.constant 0 : i32
      %eq3A_89 = arith.cmpi eq, %select_n3A_87, %eq3A_88 : i32
      %add3A_90 = arith.constant 1 : i32
      %add3A_91 = arith.addi %select_n3A_71, %add3A_90 : i32
      %lt3A_92 = arith.constant 10 : i32
      %lt3A_93 = arith.cmpi slt, %add3A_91, %lt3A_92 : i32
      %and3A_94 = arith.andi %eq3A_89, %lt3A_93 : i1
      %convert_element_type3A = arith.extui %and3A_94 : i1 to i32
      %cond3A = arith.constant 0 : i32
      %cond3A_95 = arith.cmpi ne, %convert_element_type3A, %cond3A : i32
      scf.if %cond3A_95 {
        %add3A_180 = arith.constant 1 : i32
        %add3A_181 = arith.addi %select_n3A_71, %add3A_180 : i32
        %add3A_182 = arith.constant 1 : i32
        %add3A_183 = arith.addi %select_n3A_71, %add3A_182 : i32
        %jit3A_184 = arith.constant 2 : i32
        %eq3A_185 = arith.constant 0 : i32
        %eq3A_186 = arith.cmpi eq, %jit3A_184, %eq3A_185 : i32
        %jit3A_187 = arith.constant 1 : i32
        %select_n3A_188 = arith.select %eq3A_186, %jit3A_187, %jit3A_184 : i32
        %rem3A_189 = arith.remsi %add3A_183, %select_n3A_188 : i32
        %ne3A_190 = arith.constant 0 : i32
        %ne3A_191 = arith.cmpi ne, %rem3A_189, %ne3A_190 : i32
        %lt3A_192 = arith.constant 0 : i32
        %lt3A_193 = arith.cmpi slt, %rem3A_189, %lt3A_192 : i32
        %lt3A_194 = arith.constant 0 : i32
        %lt3A_195 = arith.cmpi slt, %select_n3A_188, %lt3A_194 : i32
        %ne3A_196 = arith.xori %lt3A_193, %lt3A_195 : i1
        %and3A_197 = arith.andi %ne3A_196, %ne3A_191 : i1
        %add3A_198 = arith.addi %rem3A_189, %select_n3A_188 : i32
        %select_n3A_199 = arith.select %and3A_197, %add3A_198, %rem3A_189 : i32
        %add3A_200 = arith.constant 1 : i32
        %add3A_201 = arith.addi %select_n3A_71, %add3A_200 : i32
        %jit3A_202 = arith.constant 2 : i32
        %eq3A_203 = arith.constant 0 : i32
        %eq3A_204 = arith.cmpi eq, %jit3A_202, %eq3A_203 : i32
        %jit3A_205 = arith.constant 1 : i32
        %select_n3A_206 = arith.select %eq3A_204, %jit3A_205, %jit3A_202 : i32
        %rem3A_207 = arith.remsi %add3A_201, %select_n3A_206 : i32
        %ne3A_208 = arith.constant 0 : i32
        %ne3A_209 = arith.cmpi ne, %rem3A_207, %ne3A_208 : i32
        %lt3A_210 = arith.constant 0 : i32
        %lt3A_211 = arith.cmpi slt, %rem3A_207, %lt3A_210 : i32
        %lt3A_212 = arith.constant 0 : i32
        %lt3A_213 = arith.cmpi slt, %select_n3A_206, %lt3A_212 : i32
        %ne3A_214 = arith.xori %lt3A_211, %lt3A_213 : i1
        %and3A_215 = arith.andi %ne3A_214, %ne3A_209 : i1
        %add3A_216 = arith.addi %rem3A_207, %select_n3A_206 : i32
        %select_n3A_217 = arith.select %and3A_215, %add3A_216, %rem3A_207 : i32
        %dma_start3A_218 = arith.constant 0 : i32
        %dma_start3A_219 = arith.constant 0 : i32
        %dma_start3A_220 = tpu.memref_slice %arg7[%select_n3A_199, %dma_start3A_218, %dma_start3A_219] : memref<2x8x125xi32, #tpu.memory_space<vmem>> -> memref<1x8x125xi32, #tpu.memory_space<vmem>>
        %dma_start3A_221 = tpu.memref_squeeze %dma_start3A_220 : memref<1x8x125xi32, #tpu.memory_space<vmem>> -> memref<8x125xi32, #tpu.memory_space<vmem>>
        %dma_start3A_222 = arith.constant 0 : i32
        %dma_start3A_223 = arith.constant 0 : i32
        %dma_start3A_224 = tpu.memref_slice %arg3[%arg0, %arg1, %add3A_181, %dma_start3A_222, %dma_start3A_223] : memref<2x16x10x8x125xi32, #tpu.memory_space<hbm>> -> memref<1x1x1x8x125xi32, #tpu.memory_space<hbm>>
        %dma_start3A_225 = tpu.memref_squeeze %dma_start3A_224 : memref<1x1x1x8x125xi32, #tpu.memory_space<hbm>> -> memref<8x125xi32, #tpu.memory_space<hbm>>
        %dma_start3A_226 = tpu.memref_slice %arg11[%select_n3A_217] : memref<2x!tpu.dma_semaphore, #tpu.memory_space<semaphore_mem>> -> memref<1x!tpu.dma_semaphore, #tpu.memory_space<semaphore_mem>>
        %dma_start3A_227 = tpu.memref_squeeze %dma_start3A_226 : memref<1x!tpu.dma_semaphore, #tpu.memory_space<semaphore_mem>> -> memref<!tpu.dma_semaphore, #tpu.memory_space<semaphore_mem>>
        %dma_start3A_228 = arith.constant 0 : i32
        %dma_start3A_229 = arith.constant 0 : i32
        %dma_start3A_230 = tpu.memref_slice %arg7[%select_n3A_199, %dma_start3A_228, %dma_start3A_229] : memref<2x8x125xi32, #tpu.memory_space<vmem>> -> memref<1x8x125xi32, #tpu.memory_space<vmem>>
        %dma_start3A_231 = tpu.memref_squeeze %dma_start3A_230 : memref<1x8x125xi32, #tpu.memory_space<vmem>> -> memref<8x125xi32, #tpu.memory_space<vmem>>
        %dma_start3A_232 = arith.constant 0 : i32
        %dma_start3A_233 = arith.constant 0 : i32
        %dma_start3A_234 = tpu.memref_slice %arg3[%arg0, %arg1, %add3A_181, %dma_start3A_232, %dma_start3A_233] : memref<2x16x10x8x125xi32, #tpu.memory_space<hbm>> -> memref<1x1x1x8x125xi32, #tpu.memory_space<hbm>>
        %dma_start3A_235 = tpu.memref_squeeze %dma_start3A_234 : memref<1x1x1x8x125xi32, #tpu.memory_space<hbm>> -> memref<8x125xi32, #tpu.memory_space<hbm>>
        tpu.enqueue_dma source(%dma_start3A_235 : memref<8x125xi32, #tpu.memory_space<hbm>>) target(%dma_start3A_231 : memref<8x125xi32, #tpu.memory_space<vmem>>) target_semaphore(%dma_start3A_227 : memref<!tpu.dma_semaphore, #tpu.memory_space<semaphore_mem>>)
      } else {
      }
      %eq3A_96 = arith.constant 6 : i32
      %eq3A_97 = arith.cmpi eq, %select_n3A_87, %eq3A_96 : i32
      %add3A_98 = arith.constant 1 : i32
      %add3A_99 = arith.addi %select_n3A_71, %add3A_98 : i32
      %lt3A_100 = arith.constant 10 : i32
      %lt3A_101 = arith.cmpi slt, %add3A_99, %lt3A_100 : i32
      %and3A_102 = arith.andi %eq3A_97, %lt3A_101 : i1
      %convert_element_type3A_103 = arith.extui %and3A_102 : i1 to i32
      %cond3A_104 = arith.constant 0 : i32
      %cond3A_105 = arith.cmpi ne, %convert_element_type3A_103, %cond3A_104 : i32
      scf.if %cond3A_105 {
        %add3A_180 = arith.constant 1 : i32
        %add3A_181 = arith.addi %select_n3A_71, %add3A_180 : i32
        %add3A_182 = arith.constant 1 : i32
        %add3A_183 = arith.addi %select_n3A_71, %add3A_182 : i32
        %jit3A_184 = arith.constant 2 : i32
        %eq3A_185 = arith.constant 0 : i32
        %eq3A_186 = arith.cmpi eq, %jit3A_184, %eq3A_185 : i32
        %jit3A_187 = arith.constant 1 : i32
        %select_n3A_188 = arith.select %eq3A_186, %jit3A_187, %jit3A_184 : i32
        %rem3A_189 = arith.remsi %add3A_183, %select_n3A_188 : i32
        %ne3A_190 = arith.constant 0 : i32
        %ne3A_191 = arith.cmpi ne, %rem3A_189, %ne3A_190 : i32
        %lt3A_192 = arith.constant 0 : i32
        %lt3A_193 = arith.cmpi slt, %rem3A_189, %lt3A_192 : i32
        %lt3A_194 = arith.constant 0 : i32
        %lt3A_195 = arith.cmpi slt, %select_n3A_188, %lt3A_194 : i32
        %ne3A_196 = arith.xori %lt3A_193, %lt3A_195 : i1
        %and3A_197 = arith.andi %ne3A_196, %ne3A_191 : i1
        %add3A_198 = arith.addi %rem3A_189, %select_n3A_188 : i32
        %select_n3A_199 = arith.select %and3A_197, %add3A_198, %rem3A_189 : i32
        %add3A_200 = arith.constant 1 : i32
        %add3A_201 = arith.addi %select_n3A_71, %add3A_200 : i32
        %jit3A_202 = arith.constant 2 : i32
        %eq3A_203 = arith.constant 0 : i32
        %eq3A_204 = arith.cmpi eq, %jit3A_202, %eq3A_203 : i32
        %jit3A_205 = arith.constant 1 : i32
        %select_n3A_206 = arith.select %eq3A_204, %jit3A_205, %jit3A_202 : i32
        %rem3A_207 = arith.remsi %add3A_201, %select_n3A_206 : i32
        %ne3A_208 = arith.constant 0 : i32
        %ne3A_209 = arith.cmpi ne, %rem3A_207, %ne3A_208 : i32
        %lt3A_210 = arith.constant 0 : i32
        %lt3A_211 = arith.cmpi slt, %rem3A_207, %lt3A_210 : i32
        %lt3A_212 = arith.constant 0 : i32
        %lt3A_213 = arith.cmpi slt, %select_n3A_206, %lt3A_212 : i32
        %ne3A_214 = arith.xori %lt3A_211, %lt3A_213 : i1
        %and3A_215 = arith.andi %ne3A_214, %ne3A_209 : i1
        %add3A_216 = arith.addi %rem3A_207, %select_n3A_206 : i32
        %select_n3A_217 = arith.select %and3A_215, %add3A_216, %rem3A_207 : i32
        %dma_wait3A_218 = arith.constant 0 : i32
        %dma_wait3A_219 = arith.constant 0 : i32
        %dma_wait3A_220 = tpu.memref_slice %arg7[%select_n3A_199, %dma_wait3A_218, %dma_wait3A_219] : memref<2x8x125xi32, #tpu.memory_space<vmem>> -> memref<1x8x125xi32, #tpu.memory_space<vmem>>
        %dma_wait3A_221 = tpu.memref_squeeze %dma_wait3A_220 : memref<1x8x125xi32, #tpu.memory_space<vmem>> -> memref<8x125xi32, #tpu.memory_space<vmem>>
        %dma_wait3A_222 = arith.constant 0 : i32
        %dma_wait3A_223 = arith.constant 0 : i32
        %dma_wait3A_224 = tpu.memref_slice %arg3[%arg0, %arg1, %add3A_181, %dma_wait3A_222, %dma_wait3A_223] : memref<2x16x10x8x125xi32, #tpu.memory_space<hbm>> -> memref<1x1x1x8x125xi32, #tpu.memory_space<hbm>>
        %dma_wait3A_225 = tpu.memref_squeeze %dma_wait3A_224 : memref<1x1x1x8x125xi32, #tpu.memory_space<hbm>> -> memref<8x125xi32, #tpu.memory_space<hbm>>
        %dma_wait3A_226 = tpu.memref_slice %arg11[%select_n3A_217] : memref<2x!tpu.dma_semaphore, #tpu.memory_space<semaphore_mem>> -> memref<1x!tpu.dma_semaphore, #tpu.memory_space<semaphore_mem>>
        %dma_wait3A_227 = tpu.memref_squeeze %dma_wait3A_226 : memref<1x!tpu.dma_semaphore, #tpu.memory_space<semaphore_mem>> -> memref<!tpu.dma_semaphore, #tpu.memory_space<semaphore_mem>>
        %dma_wait3A_228 = arith.constant 0 : i32
        %dma_wait3A_229 = arith.constant 0 : i32
        %dma_wait3A_230 = tpu.memref_slice %arg7[%select_n3A_199, %dma_wait3A_228, %dma_wait3A_229] : memref<2x8x125xi32, #tpu.memory_space<vmem>> -> memref<1x8x125xi32, #tpu.memory_space<vmem>>
        %dma_wait3A_231 = tpu.memref_squeeze %dma_wait3A_230 : memref<1x8x125xi32, #tpu.memory_space<vmem>> -> memref<8x125xi32, #tpu.memory_space<vmem>>
        %dma_wait3A_232 = arith.constant 0 : i32
        %dma_wait3A_233 = arith.constant 0 : i32
        %dma_wait3A_234 = tpu.memref_slice %arg3[%arg0, %arg1, %add3A_181, %dma_wait3A_232, %dma_wait3A_233] : memref<2x16x10x8x125xi32, #tpu.memory_space<hbm>> -> memref<1x1x1x8x125xi32, #tpu.memory_space<hbm>>
        %dma_wait3A_235 = tpu.memref_squeeze %dma_wait3A_234 : memref<1x1x1x8x125xi32, #tpu.memory_space<hbm>> -> memref<8x125xi32, #tpu.memory_space<hbm>>
        tpu.wait_dma2 semaphore(%dma_wait3A_227 : memref<!tpu.dma_semaphore, #tpu.memory_space<semaphore_mem>>) src(%dma_wait3A_235 : memref<8x125xi32, #tpu.memory_space<hbm>>) dst(%dma_wait3A_231 : memref<8x125xi32, #tpu.memory_space<vmem>>)
      } else {
      }
      %jit3A_106 = arith.constant 8 : i32
      %div3A_107 = arith.divsi %scan3A_42, %jit3A_106 : i32
      %sign3A_108 = arith.constant 0 : i32
      %sign3A_109 = arith.cmpi sgt, %scan3A_42, %sign3A_108 : i32
      %sign3A_110 = arith.extui %sign3A_109 : i1 to i32
      %sign3A_111 = arith.constant 0 : i32
      %sign3A_112 = arith.cmpi slt, %scan3A_42, %sign3A_111 : i32
      %sign3A_113 = arith.extui %sign3A_112 : i1 to i32
      %sign3A_114 = arith.subi %sign3A_110, %sign3A_113 : i32
      %sign3A_115 = arith.constant 0 : i32
      %sign3A_116 = arith.cmpi sgt, %jit3A_106, %sign3A_115 : i32
      %sign3A_117 = arith.extui %sign3A_116 : i1 to i32
      %sign3A_118 = arith.constant 0 : i32
      %sign3A_119 = arith.cmpi slt, %jit3A_106, %sign3A_118 : i32
      %sign3A_120 = arith.extui %sign3A_119 : i1 to i32
      %sign3A_121 = arith.subi %sign3A_117, %sign3A_120 : i32
      %ne3A_122 = arith.cmpi ne, %sign3A_114, %sign3A_121 : i32
      %rem3A_123 = arith.remsi %scan3A_42, %jit3A_106 : i32
      %ne3A_124 = arith.constant 0 : i32
      %ne3A_125 = arith.cmpi ne, %rem3A_123, %ne3A_124 : i32
      %and3A_126 = arith.andi %ne3A_122, %ne3A_125 : i1
      %sub3A_127 = arith.constant 1 : i32
      %sub3A_128 = arith.subi %div3A_107, %sub3A_127 : i32
      %select_n3A_129 = arith.select %and3A_126, %sub3A_128, %div3A_107 : i32
      %jit3A_130 = arith.constant 2 : i32
      %eq3A_131 = arith.constant 0 : i32
      %eq3A_132 = arith.cmpi eq, %jit3A_130, %eq3A_131 : i32
      %jit3A_133 = arith.constant 1 : i32
      %select_n3A_134 = arith.select %eq3A_132, %jit3A_133, %jit3A_130 : i32
      %rem3A_135 = arith.remsi %select_n3A_129, %select_n3A_134 : i32
      %ne3A_136 = arith.constant 0 : i32
      %ne3A_137 = arith.cmpi ne, %rem3A_135, %ne3A_136 : i32
      %lt3A_138 = arith.constant 0 : i32
      %lt3A_139 = arith.cmpi slt, %rem3A_135, %lt3A_138 : i32
      %lt3A_140 = arith.constant 0 : i32
      %lt3A_141 = arith.cmpi slt, %select_n3A_134, %lt3A_140 : i32
      %ne3A_142 = arith.xori %lt3A_139, %lt3A_141 : i1
      %and3A_143 = arith.andi %ne3A_142, %ne3A_137 : i1
      %add3A_144 = arith.addi %rem3A_135, %select_n3A_134 : i32
      %select_n3A_145 = arith.select %and3A_143, %add3A_144, %rem3A_135 : i32
      %jit3A_146 = arith.constant 8 : i32
      %eq3A_147 = arith.constant 0 : i32
      %eq3A_148 = arith.cmpi eq, %jit3A_146, %eq3A_147 : i32
      %jit3A_149 = arith.constant 1 : i32
      %select_n3A_150 = arith.select %eq3A_148, %jit3A_149, %jit3A_146 : i32
      %rem3A_151 = arith.remsi %scan3A_42, %select_n3A_150 : i32
      %ne3A_152 = arith.constant 0 : i32
      %ne3A_153 = arith.cmpi ne, %rem3A_151, %ne3A_152 : i32
      %lt3A_154 = arith.constant 0 : i32
      %lt3A_155 = arith.cmpi slt, %rem3A_151, %lt3A_154 : i32
      %lt3A_156 = arith.constant 0 : i32
      %lt3A_157 = arith.cmpi slt, %select_n3A_150, %lt3A_156 : i32
      %ne3A_158 = arith.xori %lt3A_155, %lt3A_157 : i1
      %and3A_159 = arith.andi %ne3A_158, %ne3A_153 : i1
      %add3A_160 = arith.addi %rem3A_151, %select_n3A_150 : i32
      %select_n3A_161 = arith.select %and3A_159, %add3A_160, %rem3A_151 : i32
      %dma_wait3A = arith.constant 0 : i32
      %dma_wait3A_162 = arith.constant 0 : i32
      %dma_wait3A_163 = tpu.memref_slice %arg9[%select_n3A_50, %dma_wait3A, %dma_wait3A_162] : memref<2x125x128xf32, #tpu.memory_space<vmem>> -> memref<1x125x128xf32, #tpu.memory_space<vmem>>
      %dma_wait3A_164 = tpu.memref_squeeze %dma_wait3A_163 : memref<1x125x128xf32, #tpu.memory_space<vmem>> -> memref<125x128xf32, #tpu.memory_space<vmem>>
      %dma_wait3A_165 = arith.constant 0 : i32
      %dma_wait3A_166 = tpu.memref_slice %arg7[%select_n3A_145, %select_n3A_161, %dma_wait3A_165] : memref<2x8x125xi32, #tpu.memory_space<vmem>> -> memref<1x1x125xi32, #tpu.memory_space<vmem>>
      %dma_wait3A_167 = tpu.memref_squeeze %dma_wait3A_166 : memref<1x1x125xi32, #tpu.memory_space<vmem>> -> memref<125xi32, #tpu.memory_space<vmem>>
      %dma_wait3A_168 = arith.constant 0 : i32
      %dma_wait3A_169 = arith.constant 0 : i32
      %dma_wait3A_170 = tpu.memref_slice %arg2[%dma_wait3A_168, %dma_wait3A_169] : memref<10000x128xf32, #tpu.memory_space<hbm>> -> memref<10000x128xf32, #tpu.memory_space<hbm>>
      %dma_wait3A_171 = tpu.memref_slice %arg10[%select_n3A_50] : memref<2x!tpu.dma_semaphore, #tpu.memory_space<semaphore_mem>> -> memref<1x!tpu.dma_semaphore, #tpu.memory_space<semaphore_mem>>
      %dma_wait3A_172 = tpu.memref_squeeze %dma_wait3A_171 : memref<1x!tpu.dma_semaphore, #tpu.memory_space<semaphore_mem>> -> memref<!tpu.dma_semaphore, #tpu.memory_space<semaphore_mem>>
      tpu.wait_indirect_dma semaphore(%dma_wait3A_172 : memref<!tpu.dma_semaphore, #tpu.memory_space<semaphore_mem>>) src(%dma_wait3A_170 : memref<10000x128xf32, #tpu.memory_space<hbm>>) dst(%dma_wait3A_164 : memref<125x128xf32, #tpu.memory_space<vmem>>)
      "tpu.region"() ({
        %run_scoped3A_180 = tpu.sem_alloc : memref<!tpu.dma_semaphore, #tpu.memory_space<semaphore_mem>>
        %dma_start3A_181 = arith.constant 0 : i32
        %dma_start3A_182 = arith.constant 0 : i32
        %dma_start3A_183 = tpu.memref_slice %arg9[%select_n3A_50, %dma_start3A_181, %dma_start3A_182] : memref<2x125x128xf32, #tpu.memory_space<vmem>> -> memref<1x125x128xf32, #tpu.memory_space<vmem>>
        %dma_start3A_184 = tpu.memref_squeeze %dma_start3A_183 : memref<1x125x128xf32, #tpu.memory_space<vmem>> -> memref<125x128xf32, #tpu.memory_space<vmem>>
        %dma_start3A_185 = arith.constant 0 : i32
        %dma_start3A_186 = tpu.memref_slice %arg8[%scan3A_42, %dma_start3A_185] : memref<80x125xi32, #tpu.memory_space<vmem>> -> memref<1x125xi32, #tpu.memory_space<vmem>>
        %dma_start3A_187 = tpu.memref_squeeze %dma_start3A_186 : memref<1x125xi32, #tpu.memory_space<vmem>> -> memref<125xi32, #tpu.memory_space<vmem>>
        %dma_start3A_188 = arith.constant 0 : i32
        %dma_start3A_189 = arith.constant 0 : i32
        %dma_start3A_190 = tpu.memref_slice %arg12[%dma_start3A_188, %dma_start3A_189] : memref<10112x128xf32, #tpu.memory_space<vmem_shared>> -> memref<10112x128xf32, #tpu.memory_space<vmem_shared>>
        tpu.enqueue_indirect_dma source(%dma_start3A_184 : memref<125x128xf32, #tpu.memory_space<vmem>>) target(%dma_start3A_190 : memref<10112x128xf32, #tpu.memory_space<vmem_shared>>) offsets(%dma_start3A_187 : memref<125xi32, #tpu.memory_space<vmem>>) semaphore(%run_scoped3A_180 : memref<!tpu.dma_semaphore, #tpu.memory_space<semaphore_mem>>) {add = true}
        %dma_wait3A_191 = arith.constant 0 : i32
        %dma_wait3A_192 = arith.constant 0 : i32
        %dma_wait3A_193 = tpu.memref_slice %arg9[%select_n3A_50, %dma_wait3A_191, %dma_wait3A_192] : memref<2x125x128xf32, #tpu.memory_space<vmem>> -> memref<1x125x128xf32, #tpu.memory_space<vmem>>
        %dma_wait3A_194 = tpu.memref_squeeze %dma_wait3A_193 : memref<1x125x128xf32, #tpu.memory_space<vmem>> -> memref<125x128xf32, #tpu.memory_space<vmem>>
        %dma_wait3A_195 = arith.constant 0 : i32
        %dma_wait3A_196 = tpu.memref_slice %arg8[%scan3A_42, %dma_wait3A_195] : memref<80x125xi32, #tpu.memory_space<vmem>> -> memref<1x125xi32, #tpu.memory_space<vmem>>
        %dma_wait3A_197 = tpu.memref_squeeze %dma_wait3A_196 : memref<1x125xi32, #tpu.memory_space<vmem>> -> memref<125xi32, #tpu.memory_space<vmem>>
        %dma_wait3A_198 = arith.constant 0 : i32
        %dma_wait3A_199 = arith.constant 0 : i32
        %dma_wait3A_200 = tpu.memref_slice %arg12[%dma_wait3A_198, %dma_wait3A_199] : memref<10112x128xf32, #tpu.memory_space<vmem_shared>> -> memref<10112x128xf32, #tpu.memory_space<vmem_shared>>
        tpu.wait_indirect_dma semaphore(%run_scoped3A_180 : memref<!tpu.dma_semaphore, #tpu.memory_space<semaphore_mem>>) src(%dma_wait3A_194 : memref<125x128xf32, #tpu.memory_space<vmem>>) dst(%dma_wait3A_200 : memref<10112x128xf32, #tpu.memory_space<vmem_shared>>)
        tpu.yield
      }) : () -> ()
      %add3A_173 = arith.constant 2 : i32
      %add3A_174 = arith.addi %scan3A_42, %add3A_173 : i32
      %lt3A_175 = arith.constant 80 : i32
      %lt3A_176 = arith.cmpi slt, %add3A_174, %lt3A_175 : i32
      %convert_element_type3A_177 = arith.extui %lt3A_176 : i1 to i32
      %cond3A_178 = arith.constant 0 : i32
      %cond3A_179 = arith.cmpi ne, %convert_element_type3A_177, %cond3A_178 : i32
      scf.if %cond3A_179 {
        %add3A_180 = arith.constant 2 : i32
        %add3A_181 = arith.addi %scan3A_42, %add3A_180 : i32
        %jit3A_182 = arith.constant 8 : i32
        %div3A_183 = arith.divsi %add3A_181, %jit3A_182 : i32
        %sign3A_184 = arith.constant 0 : i32
        %sign3A_185 = arith.cmpi sgt, %add3A_181, %sign3A_184 : i32
        %sign3A_186 = arith.extui %sign3A_185 : i1 to i32
        %sign3A_187 = arith.constant 0 : i32
        %sign3A_188 = arith.cmpi slt, %add3A_181, %sign3A_187 : i32
        %sign3A_189 = arith.extui %sign3A_188 : i1 to i32
        %sign3A_190 = arith.subi %sign3A_186, %sign3A_189 : i32
        %sign3A_191 = arith.constant 0 : i32
        %sign3A_192 = arith.cmpi sgt, %jit3A_182, %sign3A_191 : i32
        %sign3A_193 = arith.extui %sign3A_192 : i1 to i32
        %sign3A_194 = arith.constant 0 : i32
        %sign3A_195 = arith.cmpi slt, %jit3A_182, %sign3A_194 : i32
        %sign3A_196 = arith.extui %sign3A_195 : i1 to i32
        %sign3A_197 = arith.subi %sign3A_193, %sign3A_196 : i32
        %ne3A_198 = arith.cmpi ne, %sign3A_190, %sign3A_197 : i32
        %rem3A_199 = arith.remsi %add3A_181, %jit3A_182 : i32
        %ne3A_200 = arith.constant 0 : i32
        %ne3A_201 = arith.cmpi ne, %rem3A_199, %ne3A_200 : i32
        %and3A_202 = arith.andi %ne3A_198, %ne3A_201 : i1
        %sub3A_203 = arith.constant 1 : i32
        %sub3A_204 = arith.subi %div3A_183, %sub3A_203 : i32
        %select_n3A_205 = arith.select %and3A_202, %sub3A_204, %div3A_183 : i32
        %jit3A_206 = arith.constant 2 : i32
        %eq3A_207 = arith.constant 0 : i32
        %eq3A_208 = arith.cmpi eq, %jit3A_206, %eq3A_207 : i32
        %jit3A_209 = arith.constant 1 : i32
        %select_n3A_210 = arith.select %eq3A_208, %jit3A_209, %jit3A_206 : i32
        %rem3A_211 = arith.remsi %select_n3A_205, %select_n3A_210 : i32
        %ne3A_212 = arith.constant 0 : i32
        %ne3A_213 = arith.cmpi ne, %rem3A_211, %ne3A_212 : i32
        %lt3A_214 = arith.constant 0 : i32
        %lt3A_215 = arith.cmpi slt, %rem3A_211, %lt3A_214 : i32
        %lt3A_216 = arith.constant 0 : i32
        %lt3A_217 = arith.cmpi slt, %select_n3A_210, %lt3A_216 : i32
        %ne3A_218 = arith.xori %lt3A_215, %lt3A_217 : i1
        %and3A_219 = arith.andi %ne3A_218, %ne3A_213 : i1
        %add3A_220 = arith.addi %rem3A_211, %select_n3A_210 : i32
        %select_n3A_221 = arith.select %and3A_219, %add3A_220, %rem3A_211 : i32
        %jit3A_222 = arith.constant 8 : i32
        %eq3A_223 = arith.constant 0 : i32
        %eq3A_224 = arith.cmpi eq, %jit3A_222, %eq3A_223 : i32
        %jit3A_225 = arith.constant 1 : i32
        %select_n3A_226 = arith.select %eq3A_224, %jit3A_225, %jit3A_222 : i32
        %rem3A_227 = arith.remsi %add3A_181, %select_n3A_226 : i32
        %ne3A_228 = arith.constant 0 : i32
        %ne3A_229 = arith.cmpi ne, %rem3A_227, %ne3A_228 : i32
        %lt3A_230 = arith.constant 0 : i32
        %lt3A_231 = arith.cmpi slt, %rem3A_227, %lt3A_230 : i32
        %lt3A_232 = arith.constant 0 : i32
        %lt3A_233 = arith.cmpi slt, %select_n3A_226, %lt3A_232 : i32
        %ne3A_234 = arith.xori %lt3A_231, %lt3A_233 : i1
        %and3A_235 = arith.andi %ne3A_234, %ne3A_229 : i1
        %add3A_236 = arith.addi %rem3A_227, %select_n3A_226 : i32
        %select_n3A_237 = arith.select %and3A_235, %add3A_236, %rem3A_227 : i32
        %dma_start3A_238 = arith.constant 0 : i32
        %dma_start3A_239 = arith.constant 0 : i32
        %dma_start3A_240 = tpu.memref_slice %arg9[%select_n3A_50, %dma_start3A_238, %dma_start3A_239] : memref<2x125x128xf32, #tpu.memory_space<vmem>> -> memref<1x125x128xf32, #tpu.memory_space<vmem>>
        %dma_start3A_241 = tpu.memref_squeeze %dma_start3A_240 : memref<1x125x128xf32, #tpu.memory_space<vmem>> -> memref<125x128xf32, #tpu.memory_space<vmem>>
        %dma_start3A_242 = arith.constant 0 : i32
        %dma_start3A_243 = tpu.memref_slice %arg7[%select_n3A_221, %select_n3A_237, %dma_start3A_242] : memref<2x8x125xi32, #tpu.memory_space<vmem>> -> memref<1x1x125xi32, #tpu.memory_space<vmem>>
        %dma_start3A_244 = tpu.memref_squeeze %dma_start3A_243 : memref<1x1x125xi32, #tpu.memory_space<vmem>> -> memref<125xi32, #tpu.memory_space<vmem>>
        %dma_start3A_245 = arith.constant 0 : i32
        %dma_start3A_246 = arith.constant 0 : i32
        %dma_start3A_247 = tpu.memref_slice %arg2[%dma_start3A_245, %dma_start3A_246] : memref<10000x128xf32, #tpu.memory_space<hbm>> -> memref<10000x128xf32, #tpu.memory_space<hbm>>
        %dma_start3A_248 = tpu.memref_slice %arg10[%select_n3A_50] : memref<2x!tpu.dma_semaphore, #tpu.memory_space<semaphore_mem>> -> memref<1x!tpu.dma_semaphore, #tpu.memory_space<semaphore_mem>>
        %dma_start3A_249 = tpu.memref_squeeze %dma_start3A_248 : memref<1x!tpu.dma_semaphore, #tpu.memory_space<semaphore_mem>> -> memref<!tpu.dma_semaphore, #tpu.memory_space<semaphore_mem>>
        tpu.enqueue_indirect_dma source(%dma_start3A_247 : memref<10000x128xf32, #tpu.memory_space<hbm>>) target(%dma_start3A_241 : memref<125x128xf32, #tpu.memory_space<vmem>>) offsets(%dma_start3A_244 : memref<125xi32, #tpu.memory_space<vmem>>) semaphore(%dma_start3A_249 : memref<!tpu.dma_semaphore, #tpu.memory_space<semaphore_mem>>)
      } else {
      }
    }
    %scan3A_36 = arith.constant 80 : i32
    %barrier3A_37 = arith.constant 0 : index
    tpu.barrier barrier_id(%barrier3A_37)
    %mul3A_38 = arith.constant 632 : i32
    %mul3A_39 = arith.muli %arg1, %mul3A_38 : i32
    %mul3A_40 = arith.constant 632 : i32
    %mul3A_41 = arith.muli %arg1, %mul3A_40 : i32
    "tpu.region"() ({
      %run_scoped3A_42 = tpu.sem_alloc : memref<!tpu.dma_semaphore, #tpu.memory_space<semaphore_mem>>
      %dma_start3A_43 = arith.constant 0 : i32
      %dma_start3A_44 = tpu.memref_slice %arg6[%arg0, %mul3A_41, %dma_start3A_43] : memref<2x10112x128xf32, #tpu.memory_space<hbm>> -> memref<1x632x128xf32, #tpu.memory_space<hbm>>
      %dma_start3A_45 = tpu.memref_squeeze %dma_start3A_44 : memref<1x632x128xf32, #tpu.memory_space<hbm>> -> memref<632x128xf32, #tpu.memory_space<hbm>>
      %dma_start3A_46 = arith.constant 0 : i32
      %dma_start3A_47 = tpu.memref_slice %arg12[%mul3A_39, %dma_start3A_46] : memref<10112x128xf32, #tpu.memory_space<vmem_shared>> -> memref<632x128xf32, #tpu.memory_space<vmem_shared>>
      tpu.enqueue_dma source(%dma_start3A_47 : memref<632x128xf32, #tpu.memory_space<vmem_shared>>) target(%dma_start3A_45 : memref<632x128xf32, #tpu.memory_space<hbm>>) target_semaphore(%run_scoped3A_42 : memref<!tpu.dma_semaphore, #tpu.memory_space<semaphore_mem>>)
      %dma_wait3A = arith.constant 0 : i32
      %dma_wait3A_48 = tpu.memref_slice %arg6[%arg0, %mul3A_41, %dma_wait3A] : memref<2x10112x128xf32, #tpu.memory_space<hbm>> -> memref<1x632x128xf32, #tpu.memory_space<hbm>>
      %dma_wait3A_49 = tpu.memref_squeeze %dma_wait3A_48 : memref<1x632x128xf32, #tpu.memory_space<hbm>> -> memref<632x128xf32, #tpu.memory_space<hbm>>
      %dma_wait3A_50 = arith.constant 0 : i32
      %dma_wait3A_51 = tpu.memref_slice %arg12[%mul3A_39, %dma_wait3A_50] : memref<10112x128xf32, #tpu.memory_space<vmem_shared>> -> memref<632x128xf32, #tpu.memory_space<vmem_shared>>
      tpu.wait_dma2 semaphore(%run_scoped3A_42 : memref<!tpu.dma_semaphore, #tpu.memory_space<semaphore_mem>>) src(%dma_wait3A_51 : memref<632x128xf32, #tpu.memory_space<vmem_shared>>) dst(%dma_wait3A_49 : memref<632x128xf32, #tpu.memory_space<hbm>>)
      tpu.yield
    }) : () -> ()
    return
  }
}

module attributes {stable_mosaic.version = 14 : i64} {
  func.func @_dinv_body(%arg0: memref<32x80x128xf32, #tpu.memory_space<vmem>>, %arg1: memref<80x128xf32, #tpu.memory_space<vmem>>) attributes {dimension_semantics = [], scalar_prefetch = 0 : i64, scratch_operands = 0 : i64, tpu.core_type = #tpu.core_type<tc>} {
    %get3A = arith.constant 0 : index
    %get3A_0 = arith.constant 0 : index
    %get3A_1 = arith.constant 0 : index
    %get3A_2 = vector.load %arg0[%get3A, %get3A_0, %get3A_1] : memref<32x80x128xf32, #tpu.memory_space<vmem>>, vector<32x80x128xf32>
    %reduce_sum3A = arith.constant dense<0.000000e+00> : vector<80x128xf32>
    %reduce_sum3A_3 = vector.multi_reduction <add>, %get3A_2, %reduce_sum3A [0] : vector<32x80x128xf32> to vector<80x128xf32>
    %add3A = arith.constant 1.000000e+00 : f32
    %add3A_4 = vector.broadcast %add3A : f32 to vector<80x128xf32>
    %add3A_5 = arith.addf %reduce_sum3A_3, %add3A_4 : vector<80x128xf32>
    %rsqrt3A = math.rsqrt %add3A_5 : vector<80x128xf32>
    %swap3A = arith.constant 0 : index
    %swap3A_6 = arith.constant 0 : index
    %swap3A_7 = vector.load %arg1[%swap3A, %swap3A_6] : memref<80x128xf32, #tpu.memory_space<vmem>>, vector<80x128xf32>
    tpu.vector_store %arg1[%swap3A, %swap3A_6], %rsqrt3A {strides = array<i32>} : memref<80x128xf32, #tpu.memory_space<vmem>>, vector<80x128xf32>,
    return
  }
}

module attributes {stable_mosaic.version = 14 : i64} {
  func.func @_y1sem_body(%arg0: i32, %arg1: memref<400x128xf32, #tpu.memory_space<vmem>>, %arg2: memref<128x128xf32, #tpu.memory_space<vmem>>, %arg3: memref<400x1xf32, #tpu.memory_space<vmem>>, %arg4: memref<400x128xf32, #tpu.memory_space<vmem>>, %arg5: memref<128x128xf32, #tpu.memory_space<vmem>>, %arg6: memref<1x128xf32, #tpu.memory_space<vmem>>, %arg7: memref<400x128xf32, #tpu.memory_space<vmem>>, %arg8: memref<400x128xf32, #tpu.memory_space<vmem>>, %arg9: memref<1x128xf32, #tpu.memory_space<vmem>>, %arg10: memref<1x128xf32, #tpu.memory_space<vmem>>) attributes {dimension_semantics = [#tpu.dimension_semantics<arbitrary>], iteration_bounds = array<i64: 25>, scalar_prefetch = 0 : i64, scratch_operands = 0 : i64, tpu.core_type = #tpu.core_type<tc>, window_params = [{transform_indices = @transform_0, window_bounds = array<i64: 400, 128>}, {pipeline_mode = #tpu.pipeline_mode<synchronous>, transform_indices = @transform_1, window_bounds = array<i64: 128, 128>}, {transform_indices = @transform_2, window_bounds = array<i64: 400, 1>}, {transform_indices = @transform_3, window_bounds = array<i64: 400, 128>}, {pipeline_mode = #tpu.pipeline_mode<synchronous>, transform_indices = @transform_4, window_bounds = array<i64: 128, 128>}, {pipeline_mode = #tpu.pipeline_mode<synchronous>, transform_indices = @transform_5, window_bounds = array<i64: 1, 128>}, {transform_indices = @transform_6, window_bounds = array<i64: 400, 128>}, {transform_indices = @transform_7, window_bounds = array<i64: 400, 128>}, {pipeline_mode = #tpu.pipeline_mode<synchronous>, transform_indices = @transform_8, window_bounds = array<i64: 1, 128>}, {pipeline_mode = #tpu.pipeline_mode<synchronous>, transform_indices = @transform_9, window_bounds = array<i64: 1, 128>}]} {
    %get3A = arith.constant 0 : index
    %get3A_0 = arith.constant 0 : index
    %get3A_1 = vector.load %arg1[%get3A, %get3A_0] : memref<400x128xf32, #tpu.memory_space<vmem>>, vector<400x128xf32>
    %get3A_2 = arith.constant 0 : index
    %get3A_3 = arith.constant 0 : index
    %get3A_4 = vector.load %arg2[%get3A_2, %get3A_3] : memref<128x128xf32, #tpu.memory_space<vmem>>, vector<128x128xf32>
    %dot_general3A = arith.constant dense<0.000000e+00> : vector<400x128xf32>
    %dot_general3A_5 = tpu.matmul %get3A_1, %get3A_4, %dot_general3A {dimension_numbers = #tpu.dot_dimension_numbers<[1], [0], [0], [1], [0, 0, 1, 1], [], []>, transpose_lhs_hint = false} : vector<400x128xf32>, vector<128x128xf32>, vector<400x128xf32> -> vector<400x128xf32>
    %get3A_6 = arith.constant 0 : index
    %get3A_7 = arith.constant 0 : index
    %get3A_8 = vector.load %arg3[%get3A_6, %get3A_7] : memref<400x1xf32, #tpu.memory_space<vmem>>, vector<400x1xf32>
    %mul3A = vector.broadcast %get3A_8 : vector<400x1xf32> to vector<400x128xf32>
    %mul3A_9 = arith.mulf %dot_general3A_5, %mul3A : vector<400x128xf32>
    %swap3A = arith.constant 0 : index
    %swap3A_10 = arith.constant 0 : index
    %swap3A_11 = vector.load %arg7[%swap3A, %swap3A_10] : memref<400x128xf32, #tpu.memory_space<vmem>>, vector<400x128xf32>
    tpu.vector_store %arg7[%swap3A, %swap3A_10], %mul3A_9 {strides = array<i32>} : memref<400x128xf32, #tpu.memory_space<vmem>>, vector<400x128xf32>,
    %get3A_12 = arith.constant 0 : index
    %get3A_13 = arith.constant 0 : index
    %get3A_14 = vector.load %arg4[%get3A_12, %get3A_13] : memref<400x128xf32, #tpu.memory_space<vmem>>, vector<400x128xf32>
    %get3A_15 = arith.constant 0 : index
    %get3A_16 = arith.constant 0 : index
    %get3A_17 = vector.load %arg5[%get3A_15, %get3A_16] : memref<128x128xf32, #tpu.memory_space<vmem>>, vector<128x128xf32>
    %dot_general3A_18 = arith.constant dense<0.000000e+00> : vector<400x128xf32>
    %dot_general3A_19 = tpu.matmul %get3A_14, %get3A_17, %dot_general3A_18 {dimension_numbers = #tpu.dot_dimension_numbers<[1], [0], [0], [1], [0, 0, 1, 1], [], []>, transpose_lhs_hint = false} : vector<400x128xf32>, vector<128x128xf32>, vector<400x128xf32> -> vector<400x128xf32>
    %get3A_20 = arith.constant 0 : index
    %get3A_21 = arith.constant 0 : index
    %get3A_22 = vector.load %arg6[%get3A_20, %get3A_21] : memref<1x128xf32, #tpu.memory_space<vmem>>, vector<1x128xf32>
    %add3A = vector.broadcast %get3A_22 : vector<1x128xf32> to vector<400x128xf32>
    %add3A_23 = arith.addf %dot_general3A_19, %add3A : vector<400x128xf32>
    %swap3A_24 = arith.constant 0 : index
    %swap3A_25 = arith.constant 0 : index
    %swap3A_26 = vector.load %arg8[%swap3A_24, %swap3A_25] : memref<400x128xf32, #tpu.memory_space<vmem>>, vector<400x128xf32>
    tpu.vector_store %arg8[%swap3A_24, %swap3A_25], %add3A_23 {strides = array<i32>} : memref<400x128xf32, #tpu.memory_space<vmem>>, vector<400x128xf32>,
    %reduce_sum3A = arith.constant dense<0.000000e+00> : vector<128xf32>
    %reduce_sum3A_27 = vector.multi_reduction <add>, %add3A_23, %reduce_sum3A [0] : vector<400x128xf32> to vector<128xf32>
    %broadcast_in_dim3A = vector.shape_cast %reduce_sum3A_27 : vector<128xf32> to vector<1x128xf32>
    %mul3A_28 = arith.mulf %add3A_23, %add3A_23 : vector<400x128xf32>
    %reduce_sum3A_29 = arith.constant dense<0.000000e+00> : vector<128xf32>
    %reduce_sum3A_30 = vector.multi_reduction <add>, %mul3A_28, %reduce_sum3A_29 [0] : vector<400x128xf32> to vector<128xf32>
    %broadcast_in_dim3A_31 = vector.shape_cast %reduce_sum3A_30 : vector<128xf32> to vector<1x128xf32>
    %eq3A = arith.constant 0 : i32
    %eq3A_32 = arith.cmpi eq, %arg0, %eq3A : i32
    %convert_element_type3A = arith.extui %eq3A_32 : i1 to i32
    %cond3A = arith.constant 0 : i32
    %cond3A_33 = arith.cmpi ne, %convert_element_type3A, %cond3A : i32
    scf.if %cond3A_33 {
      %swap3A_38 = arith.constant 0 : index
      %swap3A_39 = arith.constant 0 : index
      %swap3A_40 = vector.load %arg9[%swap3A_38, %swap3A_39] : memref<1x128xf32, #tpu.memory_space<vmem>>, vector<1x128xf32>
      tpu.vector_store %arg9[%swap3A_38, %swap3A_39], %broadcast_in_dim3A {strides = array<i32>} : memref<1x128xf32, #tpu.memory_space<vmem>>, vector<1x128xf32>,
      %swap3A_41 = arith.constant 0 : index
      %swap3A_42 = arith.constant 0 : index
      %swap3A_43 = vector.load %arg10[%swap3A_41, %swap3A_42] : memref<1x128xf32, #tpu.memory_space<vmem>>, vector<1x128xf32>
      tpu.vector_store %arg10[%swap3A_41, %swap3A_42], %broadcast_in_dim3A_31 {strides = array<i32>} : memref<1x128xf32, #tpu.memory_space<vmem>>, vector<1x128xf32>,
    } else {
    }
    %ne3A = arith.constant 0 : i32
    %ne3A_34 = arith.cmpi ne, %arg0, %ne3A : i32
    %convert_element_type3A_35 = arith.extui %ne3A_34 : i1 to i32
    %cond3A_36 = arith.constant 0 : i32
    %cond3A_37 = arith.cmpi ne, %convert_element_type3A_35, %cond3A_36 : i32
    scf.if %cond3A_37 {
      %get3A_38 = arith.constant 0 : index
      %get3A_39 = arith.constant 0 : index
      %get3A_40 = vector.load %arg9[%get3A_38, %get3A_39] : memref<1x128xf32, #tpu.memory_space<vmem>>, vector<1x128xf32>
      %add3A_41 = arith.addf %get3A_40, %broadcast_in_dim3A : vector<1x128xf32>
      %swap3A_42 = arith.constant 0 : index
      %swap3A_43 = arith.constant 0 : index
      %swap3A_44 = vector.load %arg9[%swap3A_42, %swap3A_43] : memref<1x128xf32, #tpu.memory_space<vmem>>, vector<1x128xf32>
      tpu.vector_store %arg9[%swap3A_42, %swap3A_43], %add3A_41 {strides = array<i32>} : memref<1x128xf32, #tpu.memory_space<vmem>>, vector<1x128xf32>,
      %get3A_45 = arith.constant 0 : index
      %get3A_46 = arith.constant 0 : index
      %get3A_47 = vector.load %arg10[%get3A_45, %get3A_46] : memref<1x128xf32, #tpu.memory_space<vmem>>, vector<1x128xf32>
      %add3A_48 = arith.addf %get3A_47, %broadcast_in_dim3A_31 : vector<1x128xf32>
      %swap3A_49 = arith.constant 0 : index
      %swap3A_50 = arith.constant 0 : index
      %swap3A_51 = vector.load %arg10[%swap3A_49, %swap3A_50] : memref<1x128xf32, #tpu.memory_space<vmem>>, vector<1x128xf32>
      tpu.vector_store %arg10[%swap3A_49, %swap3A_50], %add3A_48 {strides = array<i32>} : memref<1x128xf32, #tpu.memory_space<vmem>>, vector<1x128xf32>,
    } else {
    }
    return
  }
  func.func @transform_0(%arg0: i32) -> (i32, i32) {
    %c0_i32 = arith.constant 0 : i32
    %c0_i32_0 = arith.constant 0 : i32
    return %arg0, %c0_i32 : i32, i32
  }
  func.func @transform_1(%arg0: i32) -> (i32, i32) {
    %c0_i32 = arith.constant 0 : i32
    %c0_i32_0 = arith.constant 0 : i32
    %c0_i32_1 = arith.constant 0 : i32
    return %c0_i32, %c0_i32_0 : i32, i32
  }
  func.func @transform_2(%arg0: i32) -> (i32, i32) {
    %c0_i32 = arith.constant 0 : i32
    %c0_i32_0 = arith.constant 0 : i32
    return %arg0, %c0_i32 : i32, i32
  }
  func.func @transform_3(%arg0: i32) -> (i32, i32) {
    %c0_i32 = arith.constant 0 : i32
    %c0_i32_0 = arith.constant 0 : i32
    return %arg0, %c0_i32 : i32, i32
  }
  func.func @transform_4(%arg0: i32) -> (i32, i32) {
    %c0_i32 = arith.constant 0 : i32
    %c0_i32_0 = arith.constant 0 : i32
    %c0_i32_1 = arith.constant 0 : i32
    return %c0_i32, %c0_i32_0 : i32, i32
  }
  func.func @transform_5(%arg0: i32) -> (i32, i32) {
    %c0_i32 = arith.constant 0 : i32
    %c0_i32_0 = arith.constant 0 : i32
    %c0_i32_1 = arith.constant 0 : i32
    return %c0_i32, %c0_i32_0 : i32, i32
  }
  func.func @transform_6(%arg0: i32) -> (i32, i32) {
    %c0_i32 = arith.constant 0 : i32
    %c0_i32_0 = arith.constant 0 : i32
    return %arg0, %c0_i32 : i32, i32
  }
  func.func @transform_7(%arg0: i32) -> (i32, i32) {
    %c0_i32 = arith.constant 0 : i32
    %c0_i32_0 = arith.constant 0 : i32
    return %arg0, %c0_i32 : i32, i32
  }
  func.func @transform_8(%arg0: i32) -> (i32, i32) {
    %c0_i32 = arith.constant 0 : i32
    %c0_i32_0 = arith.constant 0 : i32
    %c0_i32_1 = arith.constant 0 : i32
    return %c0_i32, %c0_i32_0 : i32, i32
  }
  func.func @transform_9(%arg0: i32) -> (i32, i32) {
    %c0_i32 = arith.constant 0 : i32
    %c0_i32_0 = arith.constant 0 : i32
    %c0_i32_1 = arith.constant 0 : i32
    return %c0_i32, %c0_i32_0 : i32, i32
  }
}

module attributes {stable_mosaic.version = 14 : i64} {
  func.func @_mid_body(%arg0: i32, %arg1: memref<2x400x128xf32, #tpu.memory_space<vmem>>, %arg2: memref<400x128xf32, #tpu.memory_space<vmem>>, %arg3: memref<400x1xf32, #tpu.memory_space<vmem>>, %arg4: memref<1x128xf32, #tpu.memory_space<vmem>>, %arg5: memref<128x128xf32, #tpu.memory_space<vmem>>, %arg6: memref<400x128xf32, #tpu.memory_space<vmem>>) attributes {dimension_semantics = [#tpu.dimension_semantics<arbitrary>], iteration_bounds = array<i64: 25>, scalar_prefetch = 0 : i64, scratch_operands = 0 : i64, tpu.core_type = #tpu.core_type<tc>, window_params = [{transform_indices = @transform_0, window_bounds = array<i64: 2, 400, 128>}, {transform_indices = @transform_1, window_bounds = array<i64: 400, 128>}, {transform_indices = @transform_2, window_bounds = array<i64: 400, 1>}, {pipeline_mode = #tpu.pipeline_mode<synchronous>, transform_indices = @transform_3, window_bounds = array<i64: 1, 128>}, {pipeline_mode = #tpu.pipeline_mode<synchronous>, transform_indices = @transform_4, window_bounds = array<i64: 128, 128>}, {transform_indices = @transform_5, window_bounds = array<i64: 400, 128>}]} {
    %get3A = arith.constant 0 : index
    %get3A_0 = arith.constant 0 : index
    %get3A_1 = vector.load %arg3[%get3A, %get3A_0] : memref<400x1xf32, #tpu.memory_space<vmem>>, vector<400x1xf32>
    %get3A_2 = arith.constant 0 : index
    %get3A_3 = arith.constant 0 : index
    %get3A_4 = arith.constant 0 : index
    %get3A_5 = vector.load %arg1[%get3A_2, %get3A_3, %get3A_4] : memref<2x400x128xf32, #tpu.memory_space<vmem>>, vector<1x400x128xf32>
    %get3A_6 = vector.shape_cast %get3A_5 : vector<1x400x128xf32> to vector<400x128xf32>
    %get3A_7 = arith.constant 1 : index
    %get3A_8 = arith.constant 0 : index
    %get3A_9 = arith.constant 0 : index
    %get3A_10 = vector.load %arg1[%get3A_7, %get3A_8, %get3A_9] : memref<2x400x128xf32, #tpu.memory_space<vmem>>, vector<1x400x128xf32>
    %get3A_11 = vector.shape_cast %get3A_10 : vector<1x400x128xf32> to vector<400x128xf32>
    %add3A = arith.addf %get3A_6, %get3A_11 : vector<400x128xf32>
    %get3A_12 = arith.constant 0 : index
    %get3A_13 = arith.constant 0 : index
    %get3A_14 = vector.load %arg2[%get3A_12, %get3A_13] : memref<400x128xf32, #tpu.memory_space<vmem>>, vector<400x128xf32>
    %add3A_15 = arith.addf %add3A, %get3A_14 : vector<400x128xf32>
    %mul3A = vector.broadcast %get3A_1 : vector<400x1xf32> to vector<400x128xf32>
    %mul3A_16 = arith.mulf %mul3A, %add3A_15 : vector<400x128xf32>
    %get3A_17 = arith.constant 0 : index
    %get3A_18 = arith.constant 0 : index
    %get3A_19 = vector.load %arg4[%get3A_17, %get3A_18] : memref<1x128xf32, #tpu.memory_space<vmem>>, vector<1x128xf32>
    %add3A_20 = vector.broadcast %get3A_19 : vector<1x128xf32> to vector<400x128xf32>
    %add3A_21 = arith.addf %mul3A_16, %add3A_20 : vector<400x128xf32>
    %max3A = arith.constant 0.000000e+00 : f32
    %max3A_22 = vector.broadcast %max3A : f32 to vector<400x128xf32>
    %max3A_23 = arith.maximumf %add3A_21, %max3A_22 : vector<400x128xf32>
    %get3A_24 = arith.constant 0 : index
    %get3A_25 = arith.constant 0 : index
    %get3A_26 = vector.load %arg5[%get3A_24, %get3A_25] : memref<128x128xf32, #tpu.memory_space<vmem>>, vector<128x128xf32>
    %dot_general3A = arith.constant dense<0.000000e+00> : vector<400x128xf32>
    %dot_general3A_27 = tpu.matmul %max3A_23, %get3A_26, %dot_general3A {dimension_numbers = #tpu.dot_dimension_numbers<[1], [0], [0], [1], [0, 0, 1, 1], [], []>, transpose_lhs_hint = false} : vector<400x128xf32>, vector<128x128xf32>, vector<400x128xf32> -> vector<400x128xf32>
    %get3A_28 = arith.constant 0 : index
    %get3A_29 = arith.constant 0 : index
    %get3A_30 = vector.load %arg3[%get3A_28, %get3A_29] : memref<400x1xf32, #tpu.memory_space<vmem>>, vector<400x1xf32>
    %mul3A_31 = vector.broadcast %get3A_30 : vector<400x1xf32> to vector<400x128xf32>
    %mul3A_32 = arith.mulf %dot_general3A_27, %mul3A_31 : vector<400x128xf32>
    %swap3A = arith.constant 0 : index
    %swap3A_33 = arith.constant 0 : index
    %swap3A_34 = vector.load %arg6[%swap3A, %swap3A_33] : memref<400x128xf32, #tpu.memory_space<vmem>>, vector<400x128xf32>
    tpu.vector_store %arg6[%swap3A, %swap3A_33], %mul3A_32 {strides = array<i32>} : memref<400x128xf32, #tpu.memory_space<vmem>>, vector<400x128xf32>,
    return
  }
  func.func @transform_0(%arg0: i32) -> (i32, i32, i32) {
    %c0_i32 = arith.constant 0 : i32
    %c0_i32_0 = arith.constant 0 : i32
    %c0_i32_1 = arith.constant 0 : i32
    return %c0_i32, %arg0, %c0_i32_0 : i32, i32, i32
  }
  func.func @transform_1(%arg0: i32) -> (i32, i32) {
    %c0_i32 = arith.constant 0 : i32
    %c0_i32_0 = arith.constant 0 : i32
    return %arg0, %c0_i32 : i32, i32
  }
  func.func @transform_2(%arg0: i32) -> (i32, i32) {
    %c0_i32 = arith.constant 0 : i32
    %c0_i32_0 = arith.constant 0 : i32
    return %arg0, %c0_i32 : i32, i32
  }
  func.func @transform_3(%arg0: i32) -> (i32, i32) {
    %c0_i32 = arith.constant 0 : i32
    %c0_i32_0 = arith.constant 0 : i32
    %c0_i32_1 = arith.constant 0 : i32
    return %c0_i32, %c0_i32_0 : i32, i32
  }
  func.func @transform_4(%arg0: i32) -> (i32, i32) {
    %c0_i32 = arith.constant 0 : i32
    %c0_i32_0 = arith.constant 0 : i32
    %c0_i32_1 = arith.constant 0 : i32
    return %c0_i32, %c0_i32_0 : i32, i32
  }
  func.func @transform_5(%arg0: i32) -> (i32, i32) {
    %c0_i32 = arith.constant 0 : i32
    %c0_i32_0 = arith.constant 0 : i32
    return %arg0, %c0_i32 : i32, i32
  }
}

module attributes {stable_mosaic.version = 14 : i64} {
  func.func @_heads_body(%arg0: i32, %arg1: memref<2x400x128xf32, #tpu.memory_space<vmem>>, %arg2: memref<400x128xf32, #tpu.memory_space<vmem>>, %arg3: memref<400x1xf32, #tpu.memory_space<vmem>>, %arg4: memref<1x128xf32, #tpu.memory_space<vmem>>, %arg5: memref<128x128xf32, #tpu.memory_space<vmem>>, %arg6: memref<1x128xf32, #tpu.memory_space<vmem>>, %arg7: memref<400x128xf32, #tpu.memory_space<vmem>>, %arg8: memref<1x128xf32, #tpu.memory_space<vmem>>, %arg9: memref<1x128xf32, #tpu.memory_space<vmem>>) attributes {dimension_semantics = [#tpu.dimension_semantics<arbitrary>], iteration_bounds = array<i64: 25>, scalar_prefetch = 0 : i64, scratch_operands = 0 : i64, tpu.core_type = #tpu.core_type<tc>, window_params = [{transform_indices = @transform_0, window_bounds = array<i64: 2, 400, 128>}, {transform_indices = @transform_1, window_bounds = array<i64: 400, 128>}, {transform_indices = @transform_2, window_bounds = array<i64: 400, 1>}, {pipeline_mode = #tpu.pipeline_mode<synchronous>, transform_indices = @transform_3, window_bounds = array<i64: 1, 128>}, {pipeline_mode = #tpu.pipeline_mode<synchronous>, transform_indices = @transform_4, window_bounds = array<i64: 128, 128>}, {pipeline_mode = #tpu.pipeline_mode<synchronous>, transform_indices = @transform_5, window_bounds = array<i64: 1, 128>}, {transform_indices = @transform_6, window_bounds = array<i64: 400, 128>}, {pipeline_mode = #tpu.pipeline_mode<synchronous>, transform_indices = @transform_7, window_bounds = array<i64: 1, 128>}, {pipeline_mode = #tpu.pipeline_mode<synchronous>, transform_indices = @transform_8, window_bounds = array<i64: 1, 128>}]} {
    %get3A = arith.constant 0 : index
    %get3A_0 = arith.constant 0 : index
    %get3A_1 = vector.load %arg3[%get3A, %get3A_0] : memref<400x1xf32, #tpu.memory_space<vmem>>, vector<400x1xf32>
    %get3A_2 = arith.constant 0 : index
    %get3A_3 = arith.constant 0 : index
    %get3A_4 = arith.constant 0 : index
    %get3A_5 = vector.load %arg1[%get3A_2, %get3A_3, %get3A_4] : memref<2x400x128xf32, #tpu.memory_space<vmem>>, vector<1x400x128xf32>
    %get3A_6 = vector.shape_cast %get3A_5 : vector<1x400x128xf32> to vector<400x128xf32>
    %get3A_7 = arith.constant 1 : index
    %get3A_8 = arith.constant 0 : index
    %get3A_9 = arith.constant 0 : index
    %get3A_10 = vector.load %arg1[%get3A_7, %get3A_8, %get3A_9] : memref<2x400x128xf32, #tpu.memory_space<vmem>>, vector<1x400x128xf32>
    %get3A_11 = vector.shape_cast %get3A_10 : vector<1x400x128xf32> to vector<400x128xf32>
    %add3A = arith.addf %get3A_6, %get3A_11 : vector<400x128xf32>
    %get3A_12 = arith.constant 0 : index
    %get3A_13 = arith.constant 0 : index
    %get3A_14 = vector.load %arg2[%get3A_12, %get3A_13] : memref<400x128xf32, #tpu.memory_space<vmem>>, vector<400x128xf32>
    %add3A_15 = arith.addf %add3A, %get3A_14 : vector<400x128xf32>
    %mul3A = vector.broadcast %get3A_1 : vector<400x1xf32> to vector<400x128xf32>
    %mul3A_16 = arith.mulf %mul3A, %add3A_15 : vector<400x128xf32>
    %get3A_17 = arith.constant 0 : index
    %get3A_18 = arith.constant 0 : index
    %get3A_19 = vector.load %arg4[%get3A_17, %get3A_18] : memref<1x128xf32, #tpu.memory_space<vmem>>, vector<1x128xf32>
    %add3A_20 = vector.broadcast %get3A_19 : vector<1x128xf32> to vector<400x128xf32>
    %add3A_21 = arith.addf %mul3A_16, %add3A_20 : vector<400x128xf32>
    %get3A_22 = arith.constant 0 : index
    %get3A_23 = arith.constant 0 : index
    %get3A_24 = vector.load %arg5[%get3A_22, %get3A_23] : memref<128x128xf32, #tpu.memory_space<vmem>>, vector<128x128xf32>
    %dot_general3A = arith.constant dense<0.000000e+00> : vector<400x128xf32>
    %dot_general3A_25 = tpu.matmul %add3A_21, %get3A_24, %dot_general3A {dimension_numbers = #tpu.dot_dimension_numbers<[1], [0], [0], [1], [0, 0, 1, 1], [], []>, transpose_lhs_hint = false} : vector<400x128xf32>, vector<128x128xf32>, vector<400x128xf32> -> vector<400x128xf32>
    %get3A_26 = arith.constant 0 : index
    %get3A_27 = arith.constant 0 : index
    %get3A_28 = vector.load %arg6[%get3A_26, %get3A_27] : memref<1x128xf32, #tpu.memory_space<vmem>>, vector<1x128xf32>
    %add3A_29 = vector.broadcast %get3A_28 : vector<1x128xf32> to vector<400x128xf32>
    %add3A_30 = arith.addf %dot_general3A_25, %add3A_29 : vector<400x128xf32>
    %swap3A = arith.constant 0 : index
    %swap3A_31 = arith.constant 0 : index
    %swap3A_32 = vector.load %arg7[%swap3A, %swap3A_31] : memref<400x128xf32, #tpu.memory_space<vmem>>, vector<400x128xf32>
    tpu.vector_store %arg7[%swap3A, %swap3A_31], %add3A_30 {strides = array<i32>} : memref<400x128xf32, #tpu.memory_space<vmem>>, vector<400x128xf32>,
    %reduce_sum3A = arith.constant dense<0.000000e+00> : vector<128xf32>
    %reduce_sum3A_33 = vector.multi_reduction <add>, %add3A_30, %reduce_sum3A [0] : vector<400x128xf32> to vector<128xf32>
    %broadcast_in_dim3A = vector.shape_cast %reduce_sum3A_33 : vector<128xf32> to vector<1x128xf32>
    %mul3A_34 = arith.mulf %add3A_30, %add3A_30 : vector<400x128xf32>
    %reduce_sum3A_35 = arith.constant dense<0.000000e+00> : vector<128xf32>
    %reduce_sum3A_36 = vector.multi_reduction <add>, %mul3A_34, %reduce_sum3A_35 [0] : vector<400x128xf32> to vector<128xf32>
    %broadcast_in_dim3A_37 = vector.shape_cast %reduce_sum3A_36 : vector<128xf32> to vector<1x128xf32>
    %eq3A = arith.constant 0 : i32
    %eq3A_38 = arith.cmpi eq, %arg0, %eq3A : i32
    %convert_element_type3A = arith.extui %eq3A_38 : i1 to i32
    %cond3A = arith.constant 0 : i32
    %cond3A_39 = arith.cmpi ne, %convert_element_type3A, %cond3A : i32
    scf.if %cond3A_39 {
      %swap3A_44 = arith.constant 0 : index
      %swap3A_45 = arith.constant 0 : index
      %swap3A_46 = vector.load %arg8[%swap3A_44, %swap3A_45] : memref<1x128xf32, #tpu.memory_space<vmem>>, vector<1x128xf32>
      tpu.vector_store %arg8[%swap3A_44, %swap3A_45], %broadcast_in_dim3A {strides = array<i32>} : memref<1x128xf32, #tpu.memory_space<vmem>>, vector<1x128xf32>,
      %swap3A_47 = arith.constant 0 : index
      %swap3A_48 = arith.constant 0 : index
      %swap3A_49 = vector.load %arg9[%swap3A_47, %swap3A_48] : memref<1x128xf32, #tpu.memory_space<vmem>>, vector<1x128xf32>
      tpu.vector_store %arg9[%swap3A_47, %swap3A_48], %broadcast_in_dim3A_37 {strides = array<i32>} : memref<1x128xf32, #tpu.memory_space<vmem>>, vector<1x128xf32>,
    } else {
    }
    %ne3A = arith.constant 0 : i32
    %ne3A_40 = arith.cmpi ne, %arg0, %ne3A : i32
    %convert_element_type3A_41 = arith.extui %ne3A_40 : i1 to i32
    %cond3A_42 = arith.constant 0 : i32
    %cond3A_43 = arith.cmpi ne, %convert_element_type3A_41, %cond3A_42 : i32
    scf.if %cond3A_43 {
      %get3A_44 = arith.constant 0 : index
      %get3A_45 = arith.constant 0 : index
      %get3A_46 = vector.load %arg8[%get3A_44, %get3A_45] : memref<1x128xf32, #tpu.memory_space<vmem>>, vector<1x128xf32>
      %add3A_47 = arith.addf %get3A_46, %broadcast_in_dim3A : vector<1x128xf32>
      %swap3A_48 = arith.constant 0 : index
      %swap3A_49 = arith.constant 0 : index
      %swap3A_50 = vector.load %arg8[%swap3A_48, %swap3A_49] : memref<1x128xf32, #tpu.memory_space<vmem>>, vector<1x128xf32>
      tpu.vector_store %arg8[%swap3A_48, %swap3A_49], %add3A_47 {strides = array<i32>} : memref<1x128xf32, #tpu.memory_space<vmem>>, vector<1x128xf32>,
      %get3A_51 = arith.constant 0 : index
      %get3A_52 = arith.constant 0 : index
      %get3A_53 = vector.load %arg9[%get3A_51, %get3A_52] : memref<1x128xf32, #tpu.memory_space<vmem>>, vector<1x128xf32>
      %add3A_54 = arith.addf %get3A_53, %broadcast_in_dim3A_37 : vector<1x128xf32>
      %swap3A_55 = arith.constant 0 : index
      %swap3A_56 = arith.constant 0 : index
      %swap3A_57 = vector.load %arg9[%swap3A_55, %swap3A_56] : memref<1x128xf32, #tpu.memory_space<vmem>>, vector<1x128xf32>
      tpu.vector_store %arg9[%swap3A_55, %swap3A_56], %add3A_54 {strides = array<i32>} : memref<1x128xf32, #tpu.memory_space<vmem>>, vector<1x128xf32>,
    } else {
    }
    return
  }
  func.func @transform_0(%arg0: i32) -> (i32, i32, i32) {
    %c0_i32 = arith.constant 0 : i32
    %c0_i32_0 = arith.constant 0 : i32
    %c0_i32_1 = arith.constant 0 : i32
    return %c0_i32, %arg0, %c0_i32_0 : i32, i32, i32
  }
  func.func @transform_1(%arg0: i32) -> (i32, i32) {
    %c0_i32 = arith.constant 0 : i32
    %c0_i32_0 = arith.constant 0 : i32
    return %arg0, %c0_i32 : i32, i32
  }
  func.func @transform_2(%arg0: i32) -> (i32, i32) {
    %c0_i32 = arith.constant 0 : i32
    %c0_i32_0 = arith.constant 0 : i32
    return %arg0, %c0_i32 : i32, i32
  }
  func.func @transform_3(%arg0: i32) -> (i32, i32) {
    %c0_i32 = arith.constant 0 : i32
    %c0_i32_0 = arith.constant 0 : i32
    %c0_i32_1 = arith.constant 0 : i32
    return %c0_i32, %c0_i32_0 : i32, i32
  }
  func.func @transform_4(%arg0: i32) -> (i32, i32) {
    %c0_i32 = arith.constant 0 : i32
    %c0_i32_0 = arith.constant 0 : i32
    %c0_i32_1 = arith.constant 0 : i32
    return %c0_i32, %c0_i32_0 : i32, i32
  }
  func.func @transform_5(%arg0: i32) -> (i32, i32) {
    %c0_i32 = arith.constant 0 : i32
    %c0_i32_0 = arith.constant 0 : i32
    %c0_i32_1 = arith.constant 0 : i32
    return %c0_i32, %c0_i32_0 : i32, i32
  }
  func.func @transform_6(%arg0: i32) -> (i32, i32) {
    %c0_i32 = arith.constant 0 : i32
    %c0_i32_0 = arith.constant 0 : i32
    return %arg0, %c0_i32 : i32, i32
  }
  func.func @transform_7(%arg0: i32) -> (i32, i32) {
    %c0_i32 = arith.constant 0 : i32
    %c0_i32_0 = arith.constant 0 : i32
    %c0_i32_1 = arith.constant 0 : i32
    return %c0_i32, %c0_i32_0 : i32, i32
  }
  func.func @transform_8(%arg0: i32) -> (i32, i32) {
    %c0_i32 = arith.constant 0 : i32
    %c0_i32_0 = arith.constant 0 : i32
    %c0_i32_1 = arith.constant 0 : i32
    return %c0_i32, %c0_i32_0 : i32, i32
  }
}

module attributes {stable_mosaic.version = 14 : i64} {
  func.func @_final_body(%arg0: i32, %arg1: memref<400x128xf32, #tpu.memory_space<vmem>>, %arg2: memref<400x128xf32, #tpu.memory_space<vmem>>, %arg3: memref<1x128xf32, #tpu.memory_space<vmem>>, %arg4: memref<1x128xf32, #tpu.memory_space<vmem>>, %arg5: memref<1x128xf32, #tpu.memory_space<vmem>>, %arg6: memref<1x128xf32, #tpu.memory_space<vmem>>, %arg7: memref<1x128xf32, #tpu.memory_space<vmem>>, %arg8: memref<1x128xf32, #tpu.memory_space<vmem>>, %arg9: memref<128x64xf32, #tpu.memory_space<vmem>>, %arg10: memref<1x64xf32, #tpu.memory_space<vmem>>, %arg11: memref<1x128xf32, #tpu.memory_space<vmem>>, %arg12: memref<1x128xf32, #tpu.memory_space<vmem>>, %arg13: memref<128x64xf32, #tpu.memory_space<vmem>>, %arg14: memref<1x64xf32, #tpu.memory_space<vmem>>, %arg15: memref<400x64xf32, #tpu.memory_space<vmem>>, %arg16: memref<400x64xf32, #tpu.memory_space<vmem>>) attributes {dimension_semantics = [#tpu.dimension_semantics<arbitrary>], iteration_bounds = array<i64: 25>, scalar_prefetch = 0 : i64, scratch_operands = 0 : i64, tpu.core_type = #tpu.core_type<tc>, window_params = [{transform_indices = @transform_0, window_bounds = array<i64: 400, 128>}, {transform_indices = @transform_1, window_bounds = array<i64: 400, 128>}, {pipeline_mode = #tpu.pipeline_mode<synchronous>, transform_indices = @transform_2, window_bounds = array<i64: 1, 128>}, {pipeline_mode = #tpu.pipeline_mode<synchronous>, transform_indices = @transform_3, window_bounds = array<i64: 1, 128>}, {pipeline_mode = #tpu.pipeline_mode<synchronous>, transform_indices = @transform_4, window_bounds = array<i64: 1, 128>}, {pipeline_mode = #tpu.pipeline_mode<synchronous>, transform_indices = @transform_5, window_bounds = array<i64: 1, 128>}, {pipeline_mode = #tpu.pipeline_mode<synchronous>, transform_indices = @transform_6, window_bounds = array<i64: 1, 128>}, {pipeline_mode = #tpu.pipeline_mode<synchronous>, transform_indices = @transform_7, window_bounds = array<i64: 1, 128>}, {pipeline_mode = #tpu.pipeline_mode<synchronous>, transform_indices = @transform_8, window_bounds = array<i64: 128, 64>}, {pipeline_mode = #tpu.pipeline_mode<synchronous>, transform_indices = @transform_9, window_bounds = array<i64: 1, 64>}, {pipeline_mode = #tpu.pipeline_mode<synchronous>, transform_indices = @transform_10, window_bounds = array<i64: 1, 128>}, {pipeline_mode = #tpu.pipeline_mode<synchronous>, transform_indices = @transform_11, window_bounds = array<i64: 1, 128>}, {pipeline_mode = #tpu.pipeline_mode<synchronous>, transform_indices = @transform_12, window_bounds = array<i64: 128, 64>}, {pipeline_mode = #tpu.pipeline_mode<synchronous>, transform_indices = @transform_13, window_bounds = array<i64: 1, 64>}, {transform_indices = @transform_14, window_bounds = array<i64: 400, 64>}, {transform_indices = @transform_15, window_bounds = array<i64: 400, 64>}]} {
    %get3A = arith.constant 0 : index
    %get3A_0 = arith.constant 0 : index
    %get3A_1 = vector.load %arg1[%get3A, %get3A_0] : memref<400x128xf32, #tpu.memory_space<vmem>>, vector<400x128xf32>
    %get3A_2 = arith.constant 0 : index
    %get3A_3 = arith.constant 0 : index
    %get3A_4 = vector.load %arg3[%get3A_2, %get3A_3] : memref<1x128xf32, #tpu.memory_space<vmem>>, vector<1x128xf32>
    %mul3A = arith.constant 9.99999974E-5 : f32
    %mul3A_5 = vector.broadcast %mul3A : f32 to vector<1x128xf32>
    %mul3A_6 = arith.mulf %get3A_4, %mul3A_5 : vector<1x128xf32>
    %get3A_7 = arith.constant 0 : index
    %get3A_8 = arith.constant 0 : index
    %get3A_9 = vector.load %arg4[%get3A_7, %get3A_8] : memref<1x128xf32, #tpu.memory_space<vmem>>, vector<1x128xf32>
    %mul3A_10 = arith.constant 9.99999974E-5 : f32
    %mul3A_11 = vector.broadcast %mul3A_10 : f32 to vector<1x128xf32>
    %mul3A_12 = arith.mulf %get3A_9, %mul3A_11 : vector<1x128xf32>
    %mul3A_13 = arith.mulf %mul3A_6, %mul3A_6 : vector<1x128xf32>
    %sub3A = arith.subf %mul3A_12, %mul3A_13 : vector<1x128xf32>
    %sub3A_14 = vector.broadcast %mul3A_6 : vector<1x128xf32> to vector<400x128xf32>
    %sub3A_15 = arith.subf %get3A_1, %sub3A_14 : vector<400x128xf32>
    %add3A = arith.constant 9.99999974E-6 : f32
    %add3A_16 = vector.broadcast %add3A : f32 to vector<1x128xf32>
    %add3A_17 = arith.addf %sub3A, %add3A_16 : vector<1x128xf32>
    %rsqrt3A = math.rsqrt %add3A_17 : vector<1x128xf32>
    %mul3A_18 = vector.broadcast %rsqrt3A : vector<1x128xf32> to vector<400x128xf32>
    %mul3A_19 = arith.mulf %sub3A_15, %mul3A_18 : vector<400x128xf32>
    %get3A_20 = arith.constant 0 : index
    %get3A_21 = arith.constant 0 : index
    %get3A_22 = vector.load %arg7[%get3A_20, %get3A_21] : memref<1x128xf32, #tpu.memory_space<vmem>>, vector<1x128xf32>
    %mul3A_23 = vector.broadcast %get3A_22 : vector<1x128xf32> to vector<400x128xf32>
    %mul3A_24 = arith.mulf %mul3A_19, %mul3A_23 : vector<400x128xf32>
    %get3A_25 = arith.constant 0 : index
    %get3A_26 = arith.constant 0 : index
    %get3A_27 = vector.load %arg8[%get3A_25, %get3A_26] : memref<1x128xf32, #tpu.memory_space<vmem>>, vector<1x128xf32>
    %add3A_28 = vector.broadcast %get3A_27 : vector<1x128xf32> to vector<400x128xf32>
    %add3A_29 = arith.addf %mul3A_24, %add3A_28 : vector<400x128xf32>
    %max3A = arith.constant 0.000000e+00 : f32
    %max3A_30 = vector.broadcast %max3A : f32 to vector<400x128xf32>
    %max3A_31 = arith.maximumf %add3A_29, %max3A_30 : vector<400x128xf32>
    %get3A_32 = arith.constant 0 : index
    %get3A_33 = arith.constant 0 : index
    %get3A_34 = vector.load %arg9[%get3A_32, %get3A_33] : memref<128x64xf32, #tpu.memory_space<vmem>>, vector<128x64xf32>
    %dot_general3A = arith.constant dense<0.000000e+00> : vector<400x64xf32>
    %dot_general3A_35 = tpu.matmul %max3A_31, %get3A_34, %dot_general3A {dimension_numbers = #tpu.dot_dimension_numbers<[1], [0], [0], [1], [0, 0, 1, 1], [], []>, transpose_lhs_hint = false} : vector<400x128xf32>, vector<128x64xf32>, vector<400x64xf32> -> vector<400x64xf32>
    %get3A_36 = arith.constant 0 : index
    %get3A_37 = arith.constant 0 : index
    %get3A_38 = vector.load %arg10[%get3A_36, %get3A_37] : memref<1x64xf32, #tpu.memory_space<vmem>>, vector<1x64xf32>
    %add3A_39 = vector.broadcast %get3A_38 : vector<1x64xf32> to vector<400x64xf32>
    %add3A_40 = arith.addf %dot_general3A_35, %add3A_39 : vector<400x64xf32>
    %mul3A_41 = arith.mulf %add3A_40, %add3A_40 : vector<400x64xf32>
    %reduce_sum3A = arith.constant dense<0.000000e+00> : vector<400xf32>
    %reduce_sum3A_42 = vector.multi_reduction <add>, %mul3A_41, %reduce_sum3A [1] : vector<400x64xf32> to vector<400xf32>
    %broadcast_in_dim3A = vector.shape_cast %reduce_sum3A_42 : vector<400xf32> to vector<400x1xf32>
    %sqrt3A = math.sqrt %broadcast_in_dim3A : vector<400x1xf32>
    %max3A_43 = arith.constant 9.99999996E-13 : f32
    %max3A_44 = vector.broadcast %max3A_43 : f32 to vector<400x1xf32>
    %max3A_45 = arith.maximumf %sqrt3A, %max3A_44 : vector<400x1xf32>
    %div3A = vector.broadcast %max3A_45 : vector<400x1xf32> to vector<400x64xf32>
    %div3A_46 = arith.divf %add3A_40, %div3A : vector<400x64xf32>
    %swap3A = arith.constant 0 : index
    %swap3A_47 = arith.constant 0 : index
    %swap3A_48 = vector.load %arg15[%swap3A, %swap3A_47] : memref<400x64xf32, #tpu.memory_space<vmem>>, vector<400x64xf32>
    tpu.vector_store %arg15[%swap3A, %swap3A_47], %div3A_46 {strides = array<i32>} : memref<400x64xf32, #tpu.memory_space<vmem>>, vector<400x64xf32>,
    %get3A_49 = arith.constant 0 : index
    %get3A_50 = arith.constant 0 : index
    %get3A_51 = vector.load %arg2[%get3A_49, %get3A_50] : memref<400x128xf32, #tpu.memory_space<vmem>>, vector<400x128xf32>
    %get3A_52 = arith.constant 0 : index
    %get3A_53 = arith.constant 0 : index
    %get3A_54 = vector.load %arg5[%get3A_52, %get3A_53] : memref<1x128xf32, #tpu.memory_space<vmem>>, vector<1x128xf32>
    %mul3A_55 = arith.constant 9.99999974E-5 : f32
    %mul3A_56 = vector.broadcast %mul3A_55 : f32 to vector<1x128xf32>
    %mul3A_57 = arith.mulf %get3A_54, %mul3A_56 : vector<1x128xf32>
    %get3A_58 = arith.constant 0 : index
    %get3A_59 = arith.constant 0 : index
    %get3A_60 = vector.load %arg6[%get3A_58, %get3A_59] : memref<1x128xf32, #tpu.memory_space<vmem>>, vector<1x128xf32>
    %mul3A_61 = arith.constant 9.99999974E-5 : f32
    %mul3A_62 = vector.broadcast %mul3A_61 : f32 to vector<1x128xf32>
    %mul3A_63 = arith.mulf %get3A_60, %mul3A_62 : vector<1x128xf32>
    %mul3A_64 = arith.mulf %mul3A_57, %mul3A_57 : vector<1x128xf32>
    %sub3A_65 = arith.subf %mul3A_63, %mul3A_64 : vector<1x128xf32>
    %sub3A_66 = vector.broadcast %mul3A_57 : vector<1x128xf32> to vector<400x128xf32>
    %sub3A_67 = arith.subf %get3A_51, %sub3A_66 : vector<400x128xf32>
    %add3A_68 = arith.constant 9.99999974E-6 : f32
    %add3A_69 = vector.broadcast %add3A_68 : f32 to vector<1x128xf32>
    %add3A_70 = arith.addf %sub3A_65, %add3A_69 : vector<1x128xf32>
    %rsqrt3A_71 = math.rsqrt %add3A_70 : vector<1x128xf32>
    %mul3A_72 = vector.broadcast %rsqrt3A_71 : vector<1x128xf32> to vector<400x128xf32>
    %mul3A_73 = arith.mulf %sub3A_67, %mul3A_72 : vector<400x128xf32>
    %get3A_74 = arith.constant 0 : index
    %get3A_75 = arith.constant 0 : index
    %get3A_76 = vector.load %arg11[%get3A_74, %get3A_75] : memref<1x128xf32, #tpu.memory_space<vmem>>, vector<1x128xf32>
    %mul3A_77 = vector.broadcast %get3A_76 : vector<1x128xf32> to vector<400x128xf32>
    %mul3A_78 = arith.mulf %mul3A_73, %mul3A_77 : vector<400x128xf32>
    %get3A_79 = arith.constant 0 : index
    %get3A_80 = arith.constant 0 : index
    %get3A_81 = vector.load %arg12[%get3A_79, %get3A_80] : memref<1x128xf32, #tpu.memory_space<vmem>>, vector<1x128xf32>
    %add3A_82 = vector.broadcast %get3A_81 : vector<1x128xf32> to vector<400x128xf32>
    %add3A_83 = arith.addf %mul3A_78, %add3A_82 : vector<400x128xf32>
    %max3A_84 = arith.constant 0.000000e+00 : f32
    %max3A_85 = vector.broadcast %max3A_84 : f32 to vector<400x128xf32>
    %max3A_86 = arith.maximumf %add3A_83, %max3A_85 : vector<400x128xf32>
    %get3A_87 = arith.constant 0 : index
    %get3A_88 = arith.constant 0 : index
    %get3A_89 = vector.load %arg13[%get3A_87, %get3A_88] : memref<128x64xf32, #tpu.memory_space<vmem>>, vector<128x64xf32>
    %dot_general3A_90 = arith.constant dense<0.000000e+00> : vector<400x64xf32>
    %dot_general3A_91 = tpu.matmul %max3A_86, %get3A_89, %dot_general3A_90 {dimension_numbers = #tpu.dot_dimension_numbers<[1], [0], [0], [1], [0, 0, 1, 1], [], []>, transpose_lhs_hint = false} : vector<400x128xf32>, vector<128x64xf32>, vector<400x64xf32> -> vector<400x64xf32>
    %get3A_92 = arith.constant 0 : index
    %get3A_93 = arith.constant 0 : index
    %get3A_94 = vector.load %arg14[%get3A_92, %get3A_93] : memref<1x64xf32, #tpu.memory_space<vmem>>, vector<1x64xf32>
    %add3A_95 = vector.broadcast %get3A_94 : vector<1x64xf32> to vector<400x64xf32>
    %add3A_96 = arith.addf %dot_general3A_91, %add3A_95 : vector<400x64xf32>
    %mul3A_97 = arith.mulf %add3A_96, %add3A_96 : vector<400x64xf32>
    %reduce_sum3A_98 = arith.constant dense<0.000000e+00> : vector<400xf32>
    %reduce_sum3A_99 = vector.multi_reduction <add>, %mul3A_97, %reduce_sum3A_98 [1] : vector<400x64xf32> to vector<400xf32>
    %broadcast_in_dim3A_100 = vector.shape_cast %reduce_sum3A_99 : vector<400xf32> to vector<400x1xf32>
    %sqrt3A_101 = math.sqrt %broadcast_in_dim3A_100 : vector<400x1xf32>
    %max3A_102 = arith.constant 9.99999996E-13 : f32
    %max3A_103 = vector.broadcast %max3A_102 : f32 to vector<400x1xf32>
    %max3A_104 = arith.maximumf %sqrt3A_101, %max3A_103 : vector<400x1xf32>
    %div3A_105 = vector.broadcast %max3A_104 : vector<400x1xf32> to vector<400x64xf32>
    %div3A_106 = arith.divf %add3A_96, %div3A_105 : vector<400x64xf32>
    %swap3A_107 = arith.constant 0 : index
    %swap3A_108 = arith.constant 0 : index
    %swap3A_109 = vector.load %arg16[%swap3A_107, %swap3A_108] : memref<400x64xf32, #tpu.memory_space<vmem>>, vector<400x64xf32>
    tpu.vector_store %arg16[%swap3A_107, %swap3A_108], %div3A_106 {strides = array<i32>} : memref<400x64xf32, #tpu.memory_space<vmem>>, vector<400x64xf32>,
    return
  }
  func.func @transform_0(%arg0: i32) -> (i32, i32) {
    %c0_i32 = arith.constant 0 : i32
    %c0_i32_0 = arith.constant 0 : i32
    return %arg0, %c0_i32 : i32, i32
  }
  func.func @transform_1(%arg0: i32) -> (i32, i32) {
    %c0_i32 = arith.constant 0 : i32
    %c0_i32_0 = arith.constant 0 : i32
    return %arg0, %c0_i32 : i32, i32
  }
  func.func @transform_2(%arg0: i32) -> (i32, i32) {
    %c0_i32 = arith.constant 0 : i32
    %c0_i32_0 = arith.constant 0 : i32
    %c0_i32_1 = arith.constant 0 : i32
    return %c0_i32, %c0_i32_0 : i32, i32
  }
  func.func @transform_3(%arg0: i32) -> (i32, i32) {
    %c0_i32 = arith.constant 0 : i32
    %c0_i32_0 = arith.constant 0 : i32
    %c0_i32_1 = arith.constant 0 : i32
    return %c0_i32, %c0_i32_0 : i32, i32
  }
  func.func @transform_4(%arg0: i32) -> (i32, i32) {
    %c0_i32 = arith.constant 0 : i32
    %c0_i32_0 = arith.constant 0 : i32
    %c0_i32_1 = arith.constant 0 : i32
    return %c0_i32, %c0_i32_0 : i32, i32
  }
  func.func @transform_5(%arg0: i32) -> (i32, i32) {
    %c0_i32 = arith.constant 0 : i32
    %c0_i32_0 = arith.constant 0 : i32
    %c0_i32_1 = arith.constant 0 : i32
    return %c0_i32, %c0_i32_0 : i32, i32
  }
  func.func @transform_6(%arg0: i32) -> (i32, i32) {
    %c0_i32 = arith.constant 0 : i32
    %c0_i32_0 = arith.constant 0 : i32
    %c0_i32_1 = arith.constant 0 : i32
    return %c0_i32, %c0_i32_0 : i32, i32
  }
  func.func @transform_7(%arg0: i32) -> (i32, i32) {
    %c0_i32 = arith.constant 0 : i32
    %c0_i32_0 = arith.constant 0 : i32
    %c0_i32_1 = arith.constant 0 : i32
    return %c0_i32, %c0_i32_0 : i32, i32
  }
  func.func @transform_8(%arg0: i32) -> (i32, i32) {
    %c0_i32 = arith.constant 0 : i32
    %c0_i32_0 = arith.constant 0 : i32
    %c0_i32_1 = arith.constant 0 : i32
    return %c0_i32, %c0_i32_0 : i32, i32
  }
  func.func @transform_9(%arg0: i32) -> (i32, i32) {
    %c0_i32 = arith.constant 0 : i32
    %c0_i32_0 = arith.constant 0 : i32
    %c0_i32_1 = arith.constant 0 : i32
    return %c0_i32, %c0_i32_0 : i32, i32
  }
  func.func @transform_10(%arg0: i32) -> (i32, i32) {
    %c0_i32 = arith.constant 0 : i32
    %c0_i32_0 = arith.constant 0 : i32
    %c0_i32_1 = arith.constant 0 : i32
    return %c0_i32, %c0_i32_0 : i32, i32
  }
  func.func @transform_11(%arg0: i32) -> (i32, i32) {
    %c0_i32 = arith.constant 0 : i32
    %c0_i32_0 = arith.constant 0 : i32
    %c0_i32_1 = arith.constant 0 : i32
    return %c0_i32, %c0_i32_0 : i32, i32
  }
  func.func @transform_12(%arg0: i32) -> (i32, i32) {
    %c0_i32 = arith.constant 0 : i32
    %c0_i32_0 = arith.constant 0 : i32
    %c0_i32_1 = arith.constant 0 : i32
    return %c0_i32, %c0_i32_0 : i32, i32
  }
  func.func @transform_13(%arg0: i32) -> (i32, i32) {
    %c0_i32 = arith.constant 0 : i32
    %c0_i32_0 = arith.constant 0 : i32
    %c0_i32_1 = arith.constant 0 : i32
    return %c0_i32, %c0_i32_0 : i32, i32
  }
  func.func @transform_14(%arg0: i32) -> (i32, i32) {
    %c0_i32 = arith.constant 0 : i32
    %c0_i32_0 = arith.constant 0 : i32
    return %arg0, %c0_i32 : i32, i32
  }
  func.func @transform_15(%arg0: i32) -> (i32, i32) {
    %c0_i32 = arith.constant 0 : i32
    %c0_i32_0 = arith.constant 0 : i32
    return %arg0, %c0_i32 : i32, i32
  }
}

</mosaic_0001>

<sc_bundles>
// kernel: kernel.10.cloned.1.call-start
scs
__scs_entry_jumppad:
0x0: {  	(pc) =	sbr.rel $0x88, $3  }
0x1: {  	(tag) =	ssettag $0x0;
	lr =	simm.s32 $0x1  }
0x2: {  	[smem:$0x3F8E] =	sst lr;
	_ =	strace $0xD0000000  }
0x3: {  	_ = 	snop  }
0x4: {  	_ = 	snop  }
0x5: {  	_ = 	snop  }
0x6: {  	_ = 	snop  }
0x7: {  	_ = 	snop  }
__scs_overlays_trampoline_lowered:
0x8: {  	[smem:$0x3F9D] =	sst s0  }
0x9: {  	[smem:$0x3F9E] =	sst s1  }
0xa: {  	[smem:$0x3F9F] =	sst s2  }
0xb: {  	[smem:$0x3FA0] =	sst s3  }
0xc: {  	[smem:$0x3FA1] =	sst s4  }
0xd: {  	[smem:$0x3FA2] =	sst s5  }
0xe: {  	[smem:$0x3FA3] =	sst s6  }
0xf: {  	[smem:$0x3FA4] =	sst s7  }
0x10: {  	[smem:$0x3FA5] =	sst s8  }
0x11: {  	[smem:$0x3FA6] =	sst s9;
	s0 =	simm.s32 @!p0 $0x0  }
0x12: {  	s1 =	sld [smem:$0x3F8C];
	s0 =	simm.s32 @p0 $0x1  }
0x13: {  	[smem:$0x3FA7] =	sst s0;
	s0 =	simm.s32 @!p1 $0x0  }
0x14: {  	s2 =	sld [smem:$0x3F8B];
	s0 =	simm.s32 @p1 $0x1  }
0x15: {  	[smem:$0x3FA8] =	sst s0;
	s0 =	simm.s32 @!p2 $0x0  }
0x16: {  	s3 =	sld [smem:$0x3FDB];
	s0 =	simm.s32 @p2 $0x1  }
0x17: {  	s4 =	simm.s32 $0x1BF5;
	[smem:$0x3FAA] =	sst s0  }
0x18: {  	s0 =	sld [smem:$0x3F8D];
	_ =	swait.ge [sflag:s4], $0x0  }
0x19: {  	s7 =	sld [smem:$0x3F8E]  }
0x1a: {  	s8 =	sadd.s32 $0xFFFFE003, lr  }
0x1b: {  	s9 =	sadd.s32 $0xFFFFFEF7, lr;
	s5 =	simm.s32 $0xFFFFFFFF;
	p2 =	slt.u32 s8, $0xFFFFF086  }
0x1c: {  	p1 =	slt.u32 s9, $0xF7A;
	s5 =	simm.s32 @!p2 $0x0  }
0x1d: {  	s5 =	simm.s32 @p1 $0x1;
	p0 =	seq.s32 s7, s2  }
0x1e: {  	s7 =	smul.u32 @!p0 $0xF7A, s2;
	p2 =	seq.s32 @!p0 s5, $0x0  }
0x1f: {  	s9 =	smul.u32 $0xF7A, s1;
	s8 =	simm.s32 @!p0 $0x1BF5;
	p2 =	por !p2, p0  }
0x20: {  	[sflag:s8] =	ssyncset.s32 @!p0 $0xFFFFF086;
	s6 =	sadd.s32 @!p0 s3, s7;
	s7 =	simm.s32 @!p0 $0x108  }
0x21: {  	s3 =	sadd.s32 s3, s9;
	s6 =	sadd.s32 @!p0 $0x88, s6;
	s7 =	simm.s32 @p2 $0x1082  }
0x22: {  	[simem:s7], [sflag:s8] =	dma.local @!p0 [hbm:s6], $0xF7A  }
0x23: {  	s9 =	sor.u32 $0xD0000000, s2;
	s6 =	simm.s32 $0x108;
	_ =	swait.ge @!p0 [sflag:s8], $0x0  }
0x24: {  	s3 =	sadd.s32 $0x88, s3;
	s6 =	simm.s32 @!p1 $0x1082;
	[sflag:s4] =	ssyncset.s32 $0xFFFFF086  }
0x25: {  	[simem:s6], [sflag:s4] =	dma.local [hbm:s3], $0xF7A  }
0x26: {  	[smem:$0x3F8E] =	sst s1;
	(tag) =	ssettag s2;
	_ =	strace s9  }
0x27: {  	s1 =	sld [smem:$0x3F9E]  }
0x28: {  	s2 =	sld [smem:$0x3F9F]  }
0x29: {  	s4 =	sld [smem:$0x3FA1]  }
0x2a: {  	p0 =	seq.s32 s5, $0x0;
	s5 =	sld [smem:$0x3FA2]  }
0x2b: {  	s6 =	sld [smem:$0x3FA3]  }
0x2c: {  	s7 =	sld [smem:$0x3FA4]  }
0x2d: {  	s3 =	simm.s32 $0x108;
	s8 =	sld [smem:$0x3FA5]  }
0x2e: {  	s3 =	simm.s32 @!p0 $0x1082;
	s9 =	sld [smem:$0x3FA6]  }
0x2f: {  	lr =	sadd.s32 s0, s3;
	s0 =	sld [smem:$0x3F9D]  }
0x30: {  	s3 =	sld [smem:$0x3FA0]  }
0x31: {  	[smem:$0x3FA9] =	sst s10  }
0x32: {  	s10 =	sld [smem:$0x3FA7];
	_ =	sdelay $0x3  }
0x33: {  	p0 =	seq.s32 s10, $0x1;
	s10 =	sld [smem:$0x3FA9];
	_ =	sdelay $0x3  }
0x34: {  	[smem:$0x3FA9] =	sst s10  }
0x35: {  	s10 =	sld [smem:$0x3FA8];
	_ =	sdelay $0x3  }
0x36: {  	p1 =	seq.s32 s10, $0x1;
	s10 =	sld [smem:$0x3FA9];
	_ =	sdelay $0x3  }
0x37: {  	[smem:$0x3FA9] =	sst s10  }
0x38: {  	s10 =	sld [smem:$0x3FAA]  }
0x39: {  	_ = 	snop;
	(pc) =	sbr.ind lr, $3  }
0x3a: {  	_ = 	snop  }
0x3b: {  	_ = 	snop  }
0x3c: {  	p2 =	seq.s32 s10, $0x1;
	s10 =	sld [smem:$0x3FA9]  }
0x3d: {  	_ =	shalt  }
0x3e: {  	_ =	shalt  }
0x3f: {  	_ =	shalt  }
0x40: {  	_ =	shalt  }
0x41: {  	_ =	shalt  }
0x42: {  	_ =	shalt  }
0x43: {  	_ =	shalt  }
0x44: {  	_ =	shalt  }
0x45: {  	_ =	shalt  }
0x46: {  	_ =	shalt  }
0x47: {  	_ =	shalt  }
0x48: {  	_ =	shalt  }
0x49: {  	_ =	shalt  }
0x4a: {  	_ =	shalt  }
0x4b: {  	_ =	shalt  }
0x4c: {  	_ =	shalt  }
0x4d: {  	_ =	shalt  }
0x4e: {  	_ =	shalt  }
0x4f: {  	_ =	shalt  }
0x50: {  	_ =	shalt  }
0x51: {  	_ =	shalt  }
0x52: {  	_ =	shalt  }
0x53: {  	_ =	shalt  }
0x54: {  	_ =	shalt  }
0x55: {  	_ =	shalt  }
0x56: {  	_ =	shalt  }
0x57: {  	_ =	shalt  }
0x58: {  	_ =	shalt  }
0x59: {  	_ =	shalt  }
0x5a: {  	_ =	shalt  }
0x5b: {  	_ =	shalt  }
0x5c: {  	_ =	shalt  }
0x5d: {  	_ =	shalt  }
0x5e: {  	_ =	shalt  }
0x5f: {  	_ =	shalt  }
0x60: {  	_ =	shalt  }
0x61: {  	_ =	shalt  }
0x62: {  	_ =	shalt  }
0x63: {  	_ =	shalt  }
0x64: {  	_ =	shalt  }
0x65: {  	_ =	shalt  }
0x66: {  	_ =	shalt  }
0x67: {  	_ =	shalt  }
0x68: {  	_ =	shalt  }
0x69: {  	_ =	shalt  }
0x6a: {  	_ =	shalt  }
0x6b: {  	_ =	shalt  }
0x6c: {  	_ =	shalt  }
0x6d: {  	_ =	shalt  }
0x6e: {  	_ =	shalt  }
0x6f: {  	_ =	shalt  }
0x70: {  	_ =	shalt  }
0x71: {  	_ =	shalt  }
0x72: {  	_ =	shalt  }
0x73: {  	_ =	shalt  }
0x74: {  	_ =	shalt  }
0x75: {  	_ =	shalt  }
0x76: {  	_ =	shalt  }
0x77: {  	_ =	shalt  }
0x78: {  	_ =	shalt  }
0x79: {  	_ =	shalt  }
0x7a: {  	_ =	shalt  }
0x7b: {  	_ =	shalt  }
0x7c: {  	_ =	shalt  }
0x7d: {  	_ =	shalt  }
0x7e: {  	_ =	shalt  }
0x7f: {  	_ =	shalt  }
0x80: {  	_ =	shalt  }
0x81: {  	_ =	shalt  }
0x82: {  	_ =	shalt  }
0x83: {  	_ =	shalt  }
0x84: {  	_ =	shalt  }
0x85: {  	_ =	shalt  }
0x86: {  	_ =	shalt  }
0x87: {  	_ =	shalt  }
.Lfunc_end0:
.L_simem_size_0:
called_computation_lowered:
.L_overlay_start_0:
0x88: {  	s2 =	sld [smem:$0x3FD9]  }
0x89: {  	s3 =	sld [smem:$0x3FFE];
	_ =	sdelay $0x1  }
0x8a: {  	s1 =	srdreg.scid  }
0x8b: {  	s0 =	sand.u32 $0x1, s1  }
0x8c: {  	s16 =	sshll.u32 s0, $0xA;
	s2 =	sadd.s32 s3, s2  }
0x8d: {  	s2 =	sadd.s32 s2, s16  }
0x8e: {  	[smem:$0x3FB5] =	sst s2  }
0x8f: {  	_ = 	snop  }
0x90: {  	(tm) =	ssettm $0x1  }
0x91: {  	s17 =	sld [smem:$0x3FFB];
	_ =	sdelay $0x3  }
0x92: {  	_ =	strace s17  }
0x93: {  	s2 =	sld [smem:$0x3FFC];
	_ =	sdelay $0x3  }
0x94: {  	_ =	strace s2  }
0x95: {  	s2 =	sld [smem:$0x3FFD];
	_ =	sdelay $0x3  }
0x96: {  	_ =	strace s2  }
0x97: {  	_ =	strace $0x8FFFFFFF  }
0x98: {  	s18 =	sld [smem:$0x3FDB];
	_ =	sdelay $0x1  }
0x99: {  	s19 =	simm.s32 $_scs_section_size  }
0x9a: {  	s4 =	simm.s32 $_size__tile_overlayer_lowered;
	s5 =	simm.s32 $_tile_overlayer_lowered  }
0x9b: {  	s22 =	simm.s32 $0x1BFF;
	s21 =	sshll.u32 s5, $0x1;
	s2 =	sadd.s32 s19, s18  }
0x9c: {  	s6 =	simm.s32 $0x0;
	s20 =	sshll.u32 s4, $0x1;
	s4 =	sadd.s32 s21, s2  }
0x9d: {  	[timem:s6], [sflag:s22] =	dma.local [hbm:s4], s20  }
0x9e: {  	_ =	swait.ge [sflag:s22], s20  }
0x9f: {  	s3 =	ssub.s32 $0x0, s20;
	[sflag:s22] =	ssyncset.done $0x0  }
0xa0: {  	[sflag:s22] =	ssyncadd.s32 s3;
	_ =	sdelay $0x1  }
0xa1: {  	s23 =	simm.s32 $0x1B8B  }
0xa2: {  	_ =	swait.ge [sflag:s23], $0x1  }
0xa3: {  	[sflag:s23] =	ssyncset.done $0x0  }
0xa4: {  	s25 =	simm.s32 $0x1B8E;
	s24 =	sld [smem:$0x3FFE];
	[sflag:s23] =	ssyncadd.s32 $0xFFFFFFFF  }
0xa5: {  	s26 =	simm.s32 $execute0_lowered;
	[smem:$0x3FD2] =	sst s25  }
0xa6: {  	s4 =	sshll.u32 s26, $0x1;
	_ =	strace $0x80000046;
	[dreg:$0x1] =	wrdreg $0xFFFFFFFF  }
0xa7: {  	s28 =	simm.s32 $_size_execute0_lowered;
	s2 =	sadd.s32 s2, s4;
	[dreg:$0x0] =	wrdreg $0x0  }
0xa8: {  	s4 =	sshll.u32 s28, $0x1;
	[dreg:$0x2] =	wrdreg s2  }
0xa9: {  	[dreg:$0x3] =	wrdreg s4  }
0xaa: {  	[dreg:$0x4] =	wrdreg $0xC0  }
0xab: {  	_ =	task [dreg:s6], $0x5FFFF  }
0xac: {  	[dreg:$0x1] =	wrdreg $0xFFFFFFFF  }
0xad: {  	[dreg:$0x0] =	wrdreg $0x60  }
0xae: {  	[dreg:$0x2] =	wrdreg s24  }
0xaf: {  	[dreg:$0x3] =	wrdreg $0x9  }
0xb0: {  	_ =	task.clear_ibuf [dreg:s6], $0x4FFFF;
	_ =	strace $0x90000046  }
0xb1: {  	s29 =	simm.s32 $0x9;
	_ =	strace $0x80000048  }
0xb2: {  	_ =	swait.ge [sflag:s29], $0x1  }
0xb3: {  	[sflag:s29] =	ssyncadd.s32 $0xFFFFFFFF  }
0xb4: {  	_ =	strace $0x90000048  }
0xb5: {  	_ =	sfence  }
0xb6: {  	s30 =	sld [smem:$0x0];
	_ =	sdelay $0x2  }
0xb7: {  	s31 =	sshll.u32 s1, $0xD;
	s1 =	sshrl.u32 s1, $0x2  }
0xb8: {  	s3 =	sand.u32 $0x4000, s31;
	s1 =	sadd.s32 s1, s30  }
0xb9: {  	s0 =	sor.u32 s3, s0;
	s1 =	sshll.u32 s1, $0x11  }
0xba: {  	s0 =	sor.u32 s1, s0  }
0xbb: {  	s0 =	sadd.s32 $0x8F2B, s0  }
0xbc: {  	[sflag:s0] =	ssyncadd.remote.s32 $0x1  }
0xbd: {  	_ =	sfence.sel $0xFFFF  }
0xbe: {  	[dreg:$0x0] =	wrdreg $0xFFFFFFFF;
	(pc) =	sbr.abs _section_cstart, $3  }
0xbf: {  	[dreg:$0x1] =	wrdreg $0xFFFFFFFF  }
0xc0: {  	_ =	task.clear_ibuf [dreg:s6], $0x2FFFF;
	_ =	strace $0x9FFFFFFF  }
0xc1: {  	(tm) =	ssettm $0x7FFFFFFF  }
tec
execute0_lowered:
.L_overlay_start_1:
0x0: {  	(tag) =	ssettag $0x1  }
0x1: {  	s0 =	srdreg.scid  }
0x2: {  	s3 =	sand.u32 $0x1, s0  }
0x3: {  	s0 =	stileid.u32;
	s1 =	sshll.u32 s3, $0x4  }
0x4: {  	s4 =	rddreg [dreg:$0x0];
	s8 =	simm.s32 $0x1;
	s2 =	sor.u32 s0, s1  }
0x5: {  	s9 =	simm.s32 $0x2780;
	s6 =	sshll.u32 s0, $0x7;
	s5 =	sshrl.u32 s2, $0x3  }
0x6: {  	s3 =	ssub.s32 $0x2, s3;
	s1 =	rddreg [dreg:$0x1];
	s7 =	smul.u32 $0x13C00, s5  }
0x7: {  	s30 =	sshrl.u32 s3, $0x1;
	s2 =	simm.s32 $0x0;
	s5 =	smul.u32 $0x14000, s5  }
0x8: {  	s6 =	sand.u32 $0x380, s6;
	s31 =	ssub.s32 s3, s30;
	[smem:$0x7FF] =	sst s2  }
0x9: {  	_ =	strace $0x80000047;
	s7 =	sor.u32 s6, s7;
	s5 =	sor.u32 s6, s5  }
0xa: {  	s6 =	simm.s32 $0x80;
	s7 =	sshrl.u32 s7, $0x3;
	s5 =	sshrl.u32 s5, $0x3  }
0xb: {  	s29 =	sadd.s32 s7, s4;
	s4 =	sadd.s32 s5, s4;
	s5 =	smax.u32 s31, $0x1  }
0xc: {  	v0 =	vimm.f32 $0.0e+00;
	v1 =	vimm.f32 $1.000000000e+00;
	s7 =	simm.s32 $0x400;
	s3 =	sadd.s32 $0x4400, s29;
	s4 =	sadd.s32 $0xE200, s4  }
.LBB2_1:
0xd: {  	s10 =	simm.s32 $0x40;
	s11 =	simm.s32 $0x0  }
.LBB2_2:
0xe: {  	p0 =	sne.s32 s10, $0x9FC0;
	[tilespmem:s11+$0x2780] =	vst v0;
	s11 =	smov.u32 s10;
	s10 =	sadd.s32 $0x40, s10  }
.Ltmp0:
0xf: {  	(pc) =	sbr.rel @p0 .LBB2_2-.Ltmp0, $2  }
0x10: {  	_ =	sdelay $0x2  }
0x11: {  	s11 =	sshra.s32 s11, $0x2  }
0x12: {  	[tilespmem:s11+$0x2780] =	vst v0;
	s10 =	simm.s32 $0x0  }
0x13: {  	[tilespmem:s10], [sflag:$0x1] =	stream.strided.gather [hbm4b:s3+s6], $0x2780, s7, s6, $0x38;
	[tilespmem:$0x4F80] =	vst v63  }
0x14: {  	_ =	swait.ge [sflag:s8], $0x2780  }
0x15: {  	[sflag:s8] =	ssyncset.done $0x0  }
0x16: {  	s11 =	simm.s32 $0x0;
	s10 =	simm.s32 $0x40;
	[sflag:s8] =	ssyncadd.s32 $0xFFFFD880  }
.LBB2_4:
0x17: {  	p0 =	sne.s32 s10, $0x9C00;
	v2 =	vld [tilespmem:s11+$0x0];
	_ =	sdelay $0x3  }
.Ltmp1:
0x18: {  	(pc) =	sbr.rel @p0 .LBB2_4-.Ltmp1, $2  }
0x19: {  	_ =	sdelay $0x2  }
0x1a: {  	s11 =	sshra.s32 s10, $0x2;
	s10 =	sadd.s32 $0x40, s10;
	[tilespmem:v2+s9+$0x0] =	vst.idx.add.f32.msk $0xffff, v1  }
0x1b: {  	v2 =	vld [tilespmem:s11+$0x0];
	_ =	sdelay $0x5  }
0x1c: {  	s2 =	sadd.s32 $0x1, s2  }
0x1d: {  	p0 =	sne.s32 s2, s5  }
.Ltmp2:
0x1e: {  	[tilespmem:v2+s9+$0x0] =	vst.idx.add.f32.msk $0xffff, v1;
	(pc) =	sbr.rel @p0 .LBB2_1-.Ltmp2, $4  }
0x1f: {  	[hbm4b:s4+s6] =	stream.strided.scatter [tilespmem:s9], [sflag:$0x1], $0x2800, s7, s6, $0x38;
	[tilespmem:$0x4F80] =	vst v63  }
0x20: {  	_ =	swait.ge [sflag:s8], $0x2800  }
0x21: {  	[sflag:s8] =	ssyncset.done $0x0  }
0x22: {  	[sflag:s8] =	ssyncadd.s32 $0xFFFFD800  }
0x23: {  	_ =	sfence.sel $0x180000  }
0x24: {  	[bflag:$0x0] =	sbarrier.arrive $0xFFFF  }
0x25: {  	p0 =	sne.s32 s0, $0x0;
	_ =	strace $0x90000047  }
0x26: {  	s0 =	sadd.s32 @!p0 $0x100000, s1;
	[bflag:$0x2] =	sbarrier.arrive $0xFFFF  }
0x27: {  	[sflag:s0] =	ssyncadd.tile.s32 @!p0 $0x1;
	_ =	shalt  }
.Lfunc_end2:
_tile_overlayer_lowered:
.L_overlay_start_2:
0x28: {  	(tag) =	ssettag $0x2  }
0x29: {  	s0 =	rddreg [dreg:$0x0];
	s2 =	stileid.u32  }
0x2a: {  	s1 =	rddreg [dreg:$0x1];
	p0 =	sne.s32 s2, $0x0  }
0x2b: {  	s3 =	rddreg [dreg:$0x2];
	[bflag:$0x3] =	sbarrier.arrive $0xFFFF;
	s2 =	simm.s32 @!p0 $0x1C01  }
0x2c: {  	[timem:s3], [sflag:s2] =	dma.local @!p0 [hbm:s0], s1  }
0x2d: {  	s0 =	simm.s32 @!p0 $0x1  }
0x2e: {  	_ =	swait.ge @!p0 [sflag:s0], s1  }
0x2f: {  	s1 =	ssub.s32 @!p0 $0x0, s1;
	[sflag:s0] =	ssyncset.done @!p0 $0x0  }
0x30: {  	[sflag:s0] =	ssyncadd.s32 @!p0 s1  }
0x31: {  	[bflag:$0x3] =	sbarrier.arrive $0xFFFF  }
0x32: {  	_ =	shalt  }

// kernel: kernel.13.cloned.1.call-start
scs
__scs_entry_jumppad:
0x0: {  	(pc) =	sbr.rel $0x88, $3  }
0x1: {  	(tag) =	ssettag $0x0;
	lr =	simm.s32 $0x1  }
0x2: {  	[smem:$0x3F8E] =	sst lr;
	_ =	strace $0xD0000000  }
0x3: {  	_ = 	snop  }
0x4: {  	_ = 	snop  }
0x5: {  	_ = 	snop  }
0x6: {  	_ = 	snop  }
0x7: {  	_ = 	snop  }
__scs_overlays_trampoline_lowered:
0x8: {  	[smem:$0x3F9D] =	sst s0  }
0x9: {  	[smem:$0x3F9E] =	sst s1  }
0xa: {  	[smem:$0x3F9F] =	sst s2  }
0xb: {  	[smem:$0x3FA0] =	sst s3  }
0xc: {  	[smem:$0x3FA1] =	sst s4  }
0xd: {  	[smem:$0x3FA2] =	sst s5  }
0xe: {  	[smem:$0x3FA3] =	sst s6  }
0xf: {  	[smem:$0x3FA4] =	sst s7  }
0x10: {  	[smem:$0x3FA5] =	sst s8  }
0x11: {  	[smem:$0x3FA6] =	sst s9;
	s0 =	simm.s32 @!p0 $0x0  }
0x12: {  	s1 =	sld [smem:$0x3F8C];
	s0 =	simm.s32 @p0 $0x1  }
0x13: {  	[smem:$0x3FA7] =	sst s0;
	s0 =	simm.s32 @!p1 $0x0  }
0x14: {  	s2 =	sld [smem:$0x3F8B];
	s0 =	simm.s32 @p1 $0x1  }
0x15: {  	[smem:$0x3FA8] =	sst s0;
	s0 =	simm.s32 @!p2 $0x0  }
0x16: {  	s3 =	sld [smem:$0x3FDB];
	s0 =	simm.s32 @p2 $0x1  }
0x17: {  	s4 =	simm.s32 $0x1BF5;
	[smem:$0x3FAA] =	sst s0  }
0x18: {  	s0 =	sld [smem:$0x3F8D];
	_ =	swait.ge [sflag:s4], $0x0  }
0x19: {  	s7 =	sld [smem:$0x3F8E]  }
0x1a: {  	s8 =	sadd.s32 $0xFFFFE003, lr  }
0x1b: {  	s9 =	sadd.s32 $0xFFFFFEF7, lr;
	s5 =	simm.s32 $0xFFFFFFFF;
	p2 =	slt.u32 s8, $0xFFFFF086  }
0x1c: {  	p1 =	slt.u32 s9, $0xF7A;
	s5 =	simm.s32 @!p2 $0x0  }
0x1d: {  	s5 =	simm.s32 @p1 $0x1;
	p0 =	seq.s32 s7, s2  }
0x1e: {  	s7 =	smul.u32 @!p0 $0xF7A, s2;
	p2 =	seq.s32 @!p0 s5, $0x0  }
0x1f: {  	s9 =	smul.u32 $0xF7A, s1;
	s8 =	simm.s32 @!p0 $0x1BF5;
	p2 =	por !p2, p0  }
0x20: {  	[sflag:s8] =	ssyncset.s32 @!p0 $0xFFFFF086;
	s6 =	sadd.s32 @!p0 s3, s7;
	s7 =	simm.s32 @!p0 $0x108  }
0x21: {  	s3 =	sadd.s32 s3, s9;
	s6 =	sadd.s32 @!p0 $0x88, s6;
	s7 =	simm.s32 @p2 $0x1082  }
0x22: {  	[simem:s7], [sflag:s8] =	dma.local @!p0 [hbm:s6], $0xF7A  }
0x23: {  	s9 =	sor.u32 $0xD0000000, s2;
	s6 =	simm.s32 $0x108;
	_ =	swait.ge @!p0 [sflag:s8], $0x0  }
0x24: {  	s3 =	sadd.s32 $0x88, s3;
	s6 =	simm.s32 @!p1 $0x1082;
	[sflag:s4] =	ssyncset.s32 $0xFFFFF086  }
0x25: {  	[simem:s6], [sflag:s4] =	dma.local [hbm:s3], $0xF7A  }
0x26: {  	[smem:$0x3F8E] =	sst s1;
	(tag) =	ssettag s2;
	_ =	strace s9  }
0x27: {  	s1 =	sld [smem:$0x3F9E]  }
0x28: {  	s2 =	sld [smem:$0x3F9F]  }
0x29: {  	s4 =	sld [smem:$0x3FA1]  }
0x2a: {  	p0 =	seq.s32 s5, $0x0;
	s5 =	sld [smem:$0x3FA2]  }
0x2b: {  	s6 =	sld [smem:$0x3FA3]  }
0x2c: {  	s7 =	sld [smem:$0x3FA4]  }
0x2d: {  	s3 =	simm.s32 $0x108;
	s8 =	sld [smem:$0x3FA5]  }
0x2e: {  	s3 =	simm.s32 @!p0 $0x1082;
	s9 =	sld [smem:$0x3FA6]  }
0x2f: {  	lr =	sadd.s32 s0, s3;
	s0 =	sld [smem:$0x3F9D]  }
0x30: {  	s3 =	sld [smem:$0x3FA0]  }
0x31: {  	[smem:$0x3FA9] =	sst s10  }
0x32: {  	s10 =	sld [smem:$0x3FA7];
	_ =	sdelay $0x3  }
0x33: {  	p0 =	seq.s32 s10, $0x1;
	s10 =	sld [smem:$0x3FA9];
	_ =	sdelay $0x3  }
0x34: {  	[smem:$0x3FA9] =	sst s10  }
0x35: {  	s10 =	sld [smem:$0x3FA8];
	_ =	sdelay $0x3  }
0x36: {  	p1 =	seq.s32 s10, $0x1;
	s10 =	sld [smem:$0x3FA9];
	_ =	sdelay $0x3  }
0x37: {  	[smem:$0x3FA9] =	sst s10  }
0x38: {  	s10 =	sld [smem:$0x3FAA]  }
0x39: {  	_ = 	snop;
	(pc) =	sbr.ind lr, $3  }
0x3a: {  	_ = 	snop  }
0x3b: {  	_ = 	snop  }
0x3c: {  	p2 =	seq.s32 s10, $0x1;
	s10 =	sld [smem:$0x3FA9]  }
0x3d: {  	_ =	shalt  }
0x3e: {  	_ =	shalt  }
0x3f: {  	_ =	shalt  }
0x40: {  	_ =	shalt  }
0x41: {  	_ =	shalt  }
0x42: {  	_ =	shalt  }
0x43: {  	_ =	shalt  }
0x44: {  	_ =	shalt  }
0x45: {  	_ =	shalt  }
0x46: {  	_ =	shalt  }
0x47: {  	_ =	shalt  }
0x48: {  	_ =	shalt  }
0x49: {  	_ =	shalt  }
0x4a: {  	_ =	shalt  }
0x4b: {  	_ =	shalt  }
0x4c: {  	_ =	shalt  }
0x4d: {  	_ =	shalt  }
0x4e: {  	_ =	shalt  }
0x4f: {  	_ =	shalt  }
0x50: {  	_ =	shalt  }
0x51: {  	_ =	shalt  }
0x52: {  	_ =	shalt  }
0x53: {  	_ =	shalt  }
0x54: {  	_ =	shalt  }
0x55: {  	_ =	shalt  }
0x56: {  	_ =	shalt  }
0x57: {  	_ =	shalt  }
0x58: {  	_ =	shalt  }
0x59: {  	_ =	shalt  }
0x5a: {  	_ =	shalt  }
0x5b: {  	_ =	shalt  }
0x5c: {  	_ =	shalt  }
0x5d: {  	_ =	shalt  }
0x5e: {  	_ =	shalt  }
0x5f: {  	_ =	shalt  }
0x60: {  	_ =	shalt  }
0x61: {  	_ =	shalt  }
0x62: {  	_ =	shalt  }
0x63: {  	_ =	shalt  }
0x64: {  	_ =	shalt  }
0x65: {  	_ =	shalt  }
0x66: {  	_ =	shalt  }
0x67: {  	_ =	shalt  }
0x68: {  	_ =	shalt  }
0x69: {  	_ =	shalt  }
0x6a: {  	_ =	shalt  }
0x6b: {  	_ =	shalt  }
0x6c: {  	_ =	shalt  }
0x6d: {  	_ =	shalt  }
0x6e: {  	_ =	shalt  }
0x6f: {  	_ =	shalt  }
0x70: {  	_ =	shalt  }
0x71: {  	_ =	shalt  }
0x72: {  	_ =	shalt  }
0x73: {  	_ =	shalt  }
0x74: {  	_ =	shalt  }
0x75: {  	_ =	shalt  }
0x76: {  	_ =	shalt  }
0x77: {  	_ =	shalt  }
0x78: {  	_ =	shalt  }
0x79: {  	_ =	shalt  }
0x7a: {  	_ =	shalt  }
0x7b: {  	_ =	shalt  }
0x7c: {  	_ =	shalt  }
0x7d: {  	_ =	shalt  }
0x7e: {  	_ =	shalt  }
0x7f: {  	_ =	shalt  }
0x80: {  	_ =	shalt  }
0x81: {  	_ =	shalt  }
0x82: {  	_ =	shalt  }
0x83: {  	_ =	shalt  }
0x84: {  	_ =	shalt  }
0x85: {  	_ =	shalt  }
0x86: {  	_ =	shalt  }
0x87: {  	_ =	shalt  }
.Lfunc_end0:
.L_simem_size_0:
called_computation.1_lowered:
.L_overlay_start_0:
0x88: {  	s2 =	sld [smem:$0x3FD9]  }
0x89: {  	s3 =	sld [smem:$0x3FFE];
	_ =	sdelay $0x1  }
0x8a: {  	s1 =	srdreg.scid  }
0x8b: {  	s0 =	sand.u32 $0x1, s1  }
0x8c: {  	s14 =	sshll.u32 s0, $0xA;
	s2 =	sadd.s32 s3, s2  }
0x8d: {  	s2 =	sadd.s32 s2, s14  }
0x8e: {  	[smem:$0x3FB5] =	sst s2  }
0x8f: {  	_ = 	snop  }
0x90: {  	s2 =	sld [smem:$0x3FD0];
	_ =	sdelay $0x2  }
0x91: {  	s15 =	simm.s32 $0xA;
	s4 =	simm.s32 $0x10  }
0x92: {  	[smem:s4], [sflag:s15] =	dma.local [hbm:s2], $0x1  }
0x93: {  	_ =	swait.eq [sflag:s15], $0x1  }
0x94: {  	[sflag:s15] =	ssyncset.done $0x0  }
0x95: {  	s16 =	sld [smem:$0x10];
	[sflag:s15] =	ssyncadd.s32 $0xFFFFFFFF  }
0x96: {  	s17 =	sld [smem:$0x11];
	(tm) =	ssettm $0x1  }
0x97: {  	s18 =	sld [smem:$0x3FFB];
	_ =	sdelay $0x3  }
0x98: {  	_ =	strace s18  }
0x99: {  	s4 =	sld [smem:$0x3FFC];
	_ =	sdelay $0x3  }
0x9a: {  	_ =	strace s4  }
0x9b: {  	s4 =	sld [smem:$0x3FFD];
	_ =	sdelay $0x3  }
0x9c: {  	_ =	strace s4  }
0x9d: {  	_ =	strace $0x8FFFFFFF  }
0x9e: {  	s19 =	sld [smem:$0x3FDB];
	_ =	sdelay $0x1  }
0x9f: {  	s5 =	simm.s32 $_scs_section_size  }
0xa0: {  	s6 =	simm.s32 $_size__tile_overlayer_lowered;
	s7 =	simm.s32 $_tile_overlayer_lowered  }
0xa1: {  	s22 =	simm.s32 $0x1BFF;
	s21 =	sshll.u32 s7, $0x1;
	s4 =	sadd.s32 s5, s19  }
0xa2: {  	s8 =	simm.s32 $0x0;
	s20 =	sshll.u32 s6, $0x1;
	s6 =	sadd.s32 s21, s4  }
0xa3: {  	[timem:s8], [sflag:s22] =	dma.local [hbm:s6], s20  }
0xa4: {  	_ =	swait.ge [sflag:s22], s20  }
0xa5: {  	s5 =	ssub.s32 $0x0, s20;
	[sflag:s22] =	ssyncset.done $0x0  }
0xa6: {  	[sflag:s22] =	ssyncadd.s32 s5;
	_ =	sdelay $0x1  }
0xa7: {  	s23 =	simm.s32 $0x1B8B  }
0xa8: {  	_ =	swait.ge [sflag:s23], $0x1  }
0xa9: {  	[sflag:s23] =	ssyncset.done $0x0  }
0xaa: {  	s25 =	simm.s32 $0x1B8E;
	s24 =	sld [smem:$0x3FFE];
	[sflag:s23] =	ssyncadd.s32 $0xFFFFFFFF  }
0xab: {  	s26 =	simm.s32 $execute0_lowered;
	[smem:$0x3FD2] =	sst s25  }
0xac: {  	s6 =	sshll.u32 s26, $0x1;
	_ =	strace $0x80000049;
	[dreg:$0x1] =	wrdreg $0xFFFFFFFF  }
0xad: {  	s28 =	simm.s32 $_size_execute0_lowered;
	s4 =	sadd.s32 s4, s6;
	[dreg:$0x0] =	wrdreg $0x0  }
0xae: {  	s6 =	sshll.u32 s28, $0x1;
	[dreg:$0x2] =	wrdreg s4  }
0xaf: {  	[dreg:$0x3] =	wrdreg s6  }
0xb0: {  	[dreg:$0x4] =	wrdreg $0xC0  }
0xb1: {  	_ =	task [dreg:s8], $0x5FFFF  }
0xb2: {  	[dreg:$0x1] =	wrdreg $0xFFFFFFFF  }
0xb3: {  	[dreg:$0x0] =	wrdreg $0x60  }
0xb4: {  	[dreg:$0x2] =	wrdreg s24  }
0xb5: {  	[dreg:$0x3] =	wrdreg s17  }
0xb6: {  	[dreg:$0x4] =	wrdreg s16  }
0xb7: {  	[dreg:$0x5] =	wrdreg $0xB0000  }
0xb8: {  	[dreg:$0x6] =	wrdreg $0x9  }
0xb9: {  	_ =	task.clear_ibuf [dreg:s8], $0x7FFFF;
	_ =	strace $0x90000049  }
0xba: {  	s29 =	simm.s32 $0x9;
	_ =	strace $0x8000004B  }
0xbb: {  	_ =	swait.ge [sflag:s29], $0x1  }
0xbc: {  	[sflag:s29] =	ssyncadd.s32 $0xFFFFFFFF  }
0xbd: {  	_ =	strace $0x9000004B  }
0xbe: {  	_ =	sfence  }
0xbf: {  	s30 =	sld [smem:$0x0];
	_ =	sdelay $0x2  }
0xc0: {  	s31 =	sshll.u32 s1, $0xD;
	s1 =	sshrl.u32 s1, $0x2  }
0xc1: {  	s3 =	sand.u32 $0x4000, s31;
	s1 =	sadd.s32 s1, s30  }
0xc2: {  	s0 =	sor.u32 s3, s0;
	s1 =	sshll.u32 s1, $0x11  }
0xc3: {  	s0 =	sor.u32 s1, s0  }
0xc4: {  	s0 =	sadd.s32 $0x8F2B, s0  }
0xc5: {  	[sflag:s0] =	ssyncadd.remote.s32 $0x1  }
0xc6: {  	_ =	sfence.sel $0xFFFF  }
0xc7: {  	[dreg:$0x0] =	wrdreg $0xFFFFFFFF;
	(pc) =	sbr.abs _section_cstart, $3  }
0xc8: {  	[dreg:$0x1] =	wrdreg $0xFFFFFFFF  }
0xc9: {  	_ =	task.clear_ibuf [dreg:s8], $0x2FFFF;
	_ =	strace $0x9FFFFFFF  }
0xca: {  	(tm) =	ssettm $0x7FFFFFFF  }
0xcb: {  	_ =	shalt  }
tec
execute0_lowered:
.L_overlay_start_1:
0x0: {  	(tag) =	ssettag $0x1  }
0x1: {  	s7 =	rddreg [dreg:$0x0]  }
0x2: {  	s1 =	rddreg [dreg:$0x1]  }
0x3: {  	s9 =	rddreg [dreg:$0x2]  }
0x4: {  	s2 =	rddreg [dreg:$0x3]  }
0x5: {  	s3 =	srdreg.scid;
	s0 =	rddreg [dreg:$0x4]  }
0x6: {  	s4 =	simm.s32 $0x0;
	s15 =	simm.s32 $0x7D;
	s6 =	sand.u32 $0x1, s3  }
0x7: {  	s16 =	simm.s32 $0x3000;
	s3 =	stileid.u32;
	s8 =	smul.u32 $0x13C000, s6  }
0x8: {  	s17 =	simm.s32 $0x80;
	s18 =	simm.s32 $0x7000;
	s10 =	smul.u32 $0x13C00, s3  }
0x9: {  	s19 =	simm.s32 $0x0;
	[smem:$0x7FF] =	sst s4;
	s11 =	smul.u32 $0x4F000, s3  }
0xa: {  	s5 =	sadd.s32 $0x4400, s7;
	_ =	strace $0x8000004A;
	s26 =	smul.u32 $0x28000, s6  }
0xb: {  	s12 =	ssub.s32 $0x2, s6;
	s13 =	smul.u32 $0x2800, s3;
	s6 =	sadd.s32 $0x2B600, s7  }
0xc: {  	s31 =	sshll.u32 s3, $0x6;
	s28 =	sshrl.u32 s12, $0x1;
	s8 =	sadd.s32 s10, s8  }
.Ltmp0:
0xd: {  	s12 =	ssub.s32 s12, s28;
	s29 =	sshrl.u32 s11, $0x2;
	(pc) =	sbr.rel .LBB2_1-.Ltmp0, $4  }
0xe: {  	s8 =	sshrl.u32 s8, $0x3;
	s30 =	sadd.s32 s29, s2;
	s12 =	smax.u32 s12, $0x1  }
0xf: {  	s14 =	sadd.s32 s8, s7;
	s7 =	sadd.s32 s13, s26;
	s8 =	sor.u32 $0x1C05, s31  }
0x10: {  	s13 =	sshrl.u32 s30, $0x3;
	s10 =	sshrl.u32 s7, $0x3;
	s11 =	sadd.s32 $0x2DE00, s14  }
0x11: {  	s14 =	simm.s32 $0x5;
	s9 =	sadd.s32 s9, s10;
	s10 =	sadd.s32 s1, s10  }
.LBB2_6:
0x12: {  	s19 =	sadd.s32 $0x1, s19  }
0x13: {  	p0 =	sne.s32 s19, s12  }
.Ltmp1:
0x14: {  	[bflag:$0x0] =	sbarrier.arrive $0xFFFF;
	(pc) =	sbr.rel @!p0 .LBB2_7-.Ltmp1, $4  }
0x15: {  	[hbm:s11], [sflag:s8] =	dma.local [spmem:s13], $0x2780  }
0x16: {  	_ =	swait.ge [sflag:s14], $0x2780  }
0x17: {  	[sflag:s14] =	ssyncset.done $0x0  }
0x18: {  	[sflag:s14] =	ssyncadd.s32 $0xFFFFD880  }
.LBB2_1:
0x19: {  	[spmem:s13], [sflag:s8] =	dma.local [hbm:s6], $0x2780  }
0x1a: {  	_ =	swait.ge [sflag:s14], $0x2780  }
0x1b: {  	[sflag:s14] =	ssyncset.done $0x0  }
0x1c: {  	s20 =	simm.s32 $0x800;
	[sflag:s14] =	ssyncadd.s32 $0xFFFFD880  }
0x1d: {  	[tilespmem:s20], [sflag:$0x5] =	stream.linear.gather [hbm4b:s9+s4], $0x2800, $0x38;
	[tilespmem:$0x1EC00] =	vst v63  }
0x1e: {  	_ =	swait.ge [sflag:s14], $0x2800  }
0x1f: {  	[sflag:s14] =	ssyncset.done $0x0  }
0x20: {  	[sflag:s14] =	ssyncadd.s32 $0xFFFFD800  }
0x21: {  	[tilespmem:s4], [sflag:$0x5] =	stream.linear.gather [hbm4b:s10+s4], $0x400, $0x38;
	[tilespmem:$0x1EC00] =	vst v63  }
0x22: {  	_ =	swait.ge [sflag:s14], $0x400  }
0x23: {  	[sflag:s14] =	ssyncset.done $0x0  }
.Ltmp2:
0x24: {  	[sflag:s14] =	ssyncadd.s32 $0xFFFFFC00;
	(pc) =	sbr.rel .LBB2_2-.Ltmp2, $4  }
0x25: {  	[bflag:$0x0] =	sbarrier.arrive $0xFFFF  }
0x26: {  	[tilespmem:s16], [sflag:$0x1] =	stream.indirect.gather [hbm4b:s5+s15], $0x80, s4, s15, $0xb8;
	[tilespmem:$0x1EC00] =	vst v63  }
0x27: {  	s21 =	simm.s32 $0x100;
	s22 =	simm.s32 $0x0  }
0x28: {  	[tilespmem:s18], [sflag:$0x2] =	stream.indirect.gather [hbm4b:s5+s15], $0x80, s17, s15, $0xb8;
	[tilespmem:$0x1EC00] =	vst v63  }
.LBB2_4:
0x29: {  	p1 =	sne.s32 @!p0 s24, $0x6  }
0x2a: {  	p0 =	por p1, p0  }
0x2b: {  	s23 =	sand.u32 @!p0 $0x1, s23  }
0x2c: {  	s23 =	sadd.s32 @!p0 $0x3, s23  }
0x2d: {  	_ =	swait.ge @!p0 [sflag:s23], $0x400  }
0x2e: {  	[sflag:s23] =	ssyncset.done @!p0 $0x0  }
0x2f: {  	[sflag:s23] =	ssyncadd.s32 @!p0 $0xFFFFFC00  }
.LBB2_5:
0x30: {  	s23 =	sand.u32 $0x1, s22  }
0x31: {  	s24 =	sadd.s32 $0x1, s23  }
0x32: {  	_ =	swait.ge [sflag:s24], $0x3E80  }
0x33: {  	s23 =	sshll.u32 s23, $0xE;
	[sflag:s24] =	ssyncset.done $0x0  }
0x34: {  	s23 =	sor.u32 $0x3000, s23;
	[sflag:s24] =	ssyncadd.s32 $0xFFFFC180  }
0x35: {  	[spmem:s2] =	stream.indirect.scatter.add.f32 [tilespmem:s23], [sflag:$0x5], $0x80, s20, s15, $0xb8;
	[tilespmem:$0x1EC00] =	vst v63  }
0x36: {  	p0 =	sgt.u32 s22, $0x4D;
	_ =	swait.ge [sflag:s14], $0x3E80  }
0x37: {  	s25 =	sand.u32 @!p0 $0x780, s21;
	[sflag:s14] =	ssyncset.done $0x0  }
0x38: {  	s26 =	simm.s32 @!p0 $0x7D;
	s21 =	sadd.s32 $0x80, s21;
	[sflag:s14] =	ssyncadd.s32 $0xFFFFC180  }
0x39: {  	[tilespmem:s23], [sflag:s24] =	stream.indirect.gather @!p0 [hbm4b:s5+s26], $0x80, s25, s26, $0xb8;
	[tilespmem:$0x1EC00] =	vst v63  }
0x3a: {  	p0 =	sne.s32 s21, $0x2900  }
.Ltmp3:
0x3b: {  	_ = 	snop;
	(pc) =	sbr.rel @!p0 .LBB2_6-.Ltmp3, $2  }
0x3c: {  	_ =	sdelay $0x2  }
0x3d: {  	s22 =	sadd.s32 $0x1, s22;
	s20 =	sadd.s32 $0x80, s20  }
.LBB2_2:
0x3e: {  	s24 =	sand.u32 $0x7, s22;
	p0 =	sgt.u32 s22, $0x47  }
0x3f: {  	p1 =	sne.s32 @!p0 s24, $0x0  }
0x40: {  	p1 =	por p0, p1  }
.Ltmp4:
0x41: {  	_ = 	snop;
	(pc) =	sbr.rel @p1 .LBB2_4-.Ltmp4, $3  }
0x42: {  	_ =	sdelay $0x1  }
0x43: {  	s23 =	sshrl.u32 s22, $0x3  }
0x44: {  	s23 =	sadd.s32 $0x1, s23  }
.Ltmp5:
0x45: {  	s24 =	sshll.u32 s23, $0xA;
	(pc) =	sbr.rel .LBB2_5-.Ltmp5, $4  }
0x46: {  	s24 =	sadd.s32 s7, s24  }
0x47: {  	s31 =	sand.u32 $0x1, s23;
	s24 =	sshrl.u32 s24, $0x3  }
0x48: {  	s25 =	sshll.u32 s31, $0xA;
	s23 =	sadd.s32 $0x3, s31;
	s24 =	sadd.s32 s1, s24  }
0x49: {  	[tilespmem:s25], [sflag:s23] =	stream.linear.gather [hbm4b:s24+s4], $0x400, $0x38;
	[tilespmem:$0x1EC00] =	vst v63  }
.LBB2_7:
0x4a: {  	_ =	sfence.sel $0x180000  }
0x4b: {  	[bflag:$0x0] =	sbarrier.arrive $0xFFFF  }
0x4c: {  	p0 =	sne.s32 s3, $0x0;
	_ =	strace $0x9000004A  }
0x4d: {  	s0 =	sadd.s32 @!p0 $0x100000, s0;
	[bflag:$0x2] =	sbarrier.arrive $0xFFFF  }
0x4e: {  	[sflag:s0] =	ssyncadd.tile.s32 @!p0 $0x1;
	_ =	shalt  }
.Lfunc_end2:
_tile_overlayer_lowered:
.L_overlay_start_2:
0x4f: {  	(tag) =	ssettag $0x2  }
0x50: {  	s0 =	rddreg [dreg:$0x0];
	s2 =	stileid.u32  }
0x51: {  	s1 =	rddreg [dreg:$0x1];
	p0 =	sne.s32 s2, $0x0  }
0x52: {  	s3 =	rddreg [dreg:$0x2];
	[bflag:$0x3] =	sbarrier.arrive $0xFFFF;
	s2 =	simm.s32 @!p0 $0x1C05  }
0x53: {  	[timem:s3], [sflag:s2] =	dma.local @!p0 [hbm:s0], s1  }
0x54: {  	s0 =	simm.s32 @!p0 $0x5  }
0x55: {  	_ =	swait.ge @!p0 [sflag:s0], s1  }
0x56: {  	s1 =	ssub.s32 @!p0 $0x0, s1;
	[sflag:s0] =	ssyncset.done @!p0 $0x0  }
0x57: {  	[sflag:s0] =	ssyncadd.s32 @!p0 s1  }
0x58: {  	[bflag:$0x3] =	sbarrier.arrive $0xFFFF  }
0x59: {  	_ =	shalt  }

// kernel: kernel.16.cloned.1.call-start
scs
__scs_entry_jumppad:
0x0: {  	(pc) =	sbr.rel $0x88, $3  }
0x1: {  	(tag) =	ssettag $0x0;
	lr =	simm.s32 $0x1  }
0x2: {  	[smem:$0x3F8E] =	sst lr;
	_ =	strace $0xD0000000  }
0x3: {  	_ = 	snop  }
0x4: {  	_ = 	snop  }
0x5: {  	_ = 	snop  }
0x6: {  	_ = 	snop  }
0x7: {  	_ = 	snop  }
__scs_overlays_trampoline_lowered:
0x8: {  	[smem:$0x3F9D] =	sst s0  }
0x9: {  	[smem:$0x3F9E] =	sst s1  }
0xa: {  	[smem:$0x3F9F] =	sst s2  }
0xb: {  	[smem:$0x3FA0] =	sst s3  }
0xc: {  	[smem:$0x3FA1] =	sst s4  }
0xd: {  	[smem:$0x3FA2] =	sst s5  }
0xe: {  	[smem:$0x3FA3] =	sst s6  }
0xf: {  	[smem:$0x3FA4] =	sst s7  }
0x10: {  	[smem:$0x3FA5] =	sst s8  }
0x11: {  	[smem:$0x3FA6] =	sst s9;
	s0 =	simm.s32 @!p0 $0x0  }
0x12: {  	s1 =	sld [smem:$0x3F8C];
	s0 =	simm.s32 @p0 $0x1  }
0x13: {  	[smem:$0x3FA7] =	sst s0;
	s0 =	simm.s32 @!p1 $0x0  }
0x14: {  	s2 =	sld [smem:$0x3F8B];
	s0 =	simm.s32 @p1 $0x1  }
0x15: {  	[smem:$0x3FA8] =	sst s0;
	s0 =	simm.s32 @!p2 $0x0  }
0x16: {  	s3 =	sld [smem:$0x3FDB];
	s0 =	simm.s32 @p2 $0x1  }
0x17: {  	s4 =	simm.s32 $0x1BF5;
	[smem:$0x3FAA] =	sst s0  }
0x18: {  	s0 =	sld [smem:$0x3F8D];
	_ =	swait.ge [sflag:s4], $0x0  }
0x19: {  	s7 =	sld [smem:$0x3F8E]  }
0x1a: {  	s8 =	sadd.s32 $0xFFFFE003, lr  }
0x1b: {  	s9 =	sadd.s32 $0xFFFFFEF7, lr;
	s5 =	simm.s32 $0xFFFFFFFF;
	p2 =	slt.u32 s8, $0xFFFFF086  }
0x1c: {  	p1 =	slt.u32 s9, $0xF7A;
	s5 =	simm.s32 @!p2 $0x0  }
0x1d: {  	s5 =	simm.s32 @p1 $0x1;
	p0 =	seq.s32 s7, s2  }
0x1e: {  	s7 =	smul.u32 @!p0 $0xF7A, s2;
	p2 =	seq.s32 @!p0 s5, $0x0  }
0x1f: {  	s9 =	smul.u32 $0xF7A, s1;
	s8 =	simm.s32 @!p0 $0x1BF5;
	p2 =	por !p2, p0  }
0x20: {  	[sflag:s8] =	ssyncset.s32 @!p0 $0xFFFFF086;
	s6 =	sadd.s32 @!p0 s3, s7;
	s7 =	simm.s32 @!p0 $0x108  }
0x21: {  	s3 =	sadd.s32 s3, s9;
	s6 =	sadd.s32 @!p0 $0x88, s6;
	s7 =	simm.s32 @p2 $0x1082  }
0x22: {  	[simem:s7], [sflag:s8] =	dma.local @!p0 [hbm:s6], $0xF7A  }
0x23: {  	s9 =	sor.u32 $0xD0000000, s2;
	s6 =	simm.s32 $0x108;
	_ =	swait.ge @!p0 [sflag:s8], $0x0  }
0x24: {  	s3 =	sadd.s32 $0x88, s3;
	s6 =	simm.s32 @!p1 $0x1082;
	[sflag:s4] =	ssyncset.s32 $0xFFFFF086  }
0x25: {  	[simem:s6], [sflag:s4] =	dma.local [hbm:s3], $0xF7A  }
0x26: {  	[smem:$0x3F8E] =	sst s1;
	(tag) =	ssettag s2;
	_ =	strace s9  }
0x27: {  	s1 =	sld [smem:$0x3F9E]  }
0x28: {  	s2 =	sld [smem:$0x3F9F]  }
0x29: {  	s4 =	sld [smem:$0x3FA1]  }
0x2a: {  	p0 =	seq.s32 s5, $0x0;
	s5 =	sld [smem:$0x3FA2]  }
0x2b: {  	s6 =	sld [smem:$0x3FA3]  }
0x2c: {  	s7 =	sld [smem:$0x3FA4]  }
0x2d: {  	s3 =	simm.s32 $0x108;
	s8 =	sld [smem:$0x3FA5]  }
0x2e: {  	s3 =	simm.s32 @!p0 $0x1082;
	s9 =	sld [smem:$0x3FA6]  }
0x2f: {  	lr =	sadd.s32 s0, s3;
	s0 =	sld [smem:$0x3F9D]  }
0x30: {  	s3 =	sld [smem:$0x3FA0]  }
0x31: {  	[smem:$0x3FA9] =	sst s10  }
0x32: {  	s10 =	sld [smem:$0x3FA7];
	_ =	sdelay $0x3  }
0x33: {  	p0 =	seq.s32 s10, $0x1;
	s10 =	sld [smem:$0x3FA9];
	_ =	sdelay $0x3  }
0x34: {  	[smem:$0x3FA9] =	sst s10  }
0x35: {  	s10 =	sld [smem:$0x3FA8];
	_ =	sdelay $0x3  }
0x36: {  	p1 =	seq.s32 s10, $0x1;
	s10 =	sld [smem:$0x3FA9];
	_ =	sdelay $0x3  }
0x37: {  	[smem:$0x3FA9] =	sst s10  }
0x38: {  	s10 =	sld [smem:$0x3FAA]  }
0x39: {  	_ = 	snop;
	(pc) =	sbr.ind lr, $3  }
0x3a: {  	_ = 	snop  }
0x3b: {  	_ = 	snop  }
0x3c: {  	p2 =	seq.s32 s10, $0x1;
	s10 =	sld [smem:$0x3FA9]  }
0x3d: {  	_ =	shalt  }
0x3e: {  	_ =	shalt  }
0x3f: {  	_ =	shalt  }
0x40: {  	_ =	shalt  }
0x41: {  	_ =	shalt  }
0x42: {  	_ =	shalt  }
0x43: {  	_ =	shalt  }
0x44: {  	_ =	shalt  }
0x45: {  	_ =	shalt  }
0x46: {  	_ =	shalt  }
0x47: {  	_ =	shalt  }
0x48: {  	_ =	shalt  }
0x49: {  	_ =	shalt  }
0x4a: {  	_ =	shalt  }
0x4b: {  	_ =	shalt  }
0x4c: {  	_ =	shalt  }
0x4d: {  	_ =	shalt  }
0x4e: {  	_ =	shalt  }
0x4f: {  	_ =	shalt  }
0x50: {  	_ =	shalt  }
0x51: {  	_ =	shalt  }
0x52: {  	_ =	shalt  }
0x53: {  	_ =	shalt  }
0x54: {  	_ =	shalt  }
0x55: {  	_ =	shalt  }
0x56: {  	_ =	shalt  }
0x57: {  	_ =	shalt  }
0x58: {  	_ =	shalt  }
0x59: {  	_ =	shalt  }
0x5a: {  	_ =	shalt  }
0x5b: {  	_ =	shalt  }
0x5c: {  	_ =	shalt  }
0x5d: {  	_ =	shalt  }
0x5e: {  	_ =	shalt  }
0x5f: {  	_ =	shalt  }
0x60: {  	_ =	shalt  }
0x61: {  	_ =	shalt  }
0x62: {  	_ =	shalt  }
0x63: {  	_ =	shalt  }
0x64: {  	_ =	shalt  }
0x65: {  	_ =	shalt  }
0x66: {  	_ =	shalt  }
0x67: {  	_ =	shalt  }
0x68: {  	_ =	shalt  }
0x69: {  	_ =	shalt  }
0x6a: {  	_ =	shalt  }
0x6b: {  	_ =	shalt  }
0x6c: {  	_ =	shalt  }
0x6d: {  	_ =	shalt  }
0x6e: {  	_ =	shalt  }
0x6f: {  	_ =	shalt  }
0x70: {  	_ =	shalt  }
0x71: {  	_ =	shalt  }
0x72: {  	_ =	shalt  }
0x73: {  	_ =	shalt  }
0x74: {  	_ =	shalt  }
0x75: {  	_ =	shalt  }
0x76: {  	_ =	shalt  }
0x77: {  	_ =	shalt  }
0x78: {  	_ =	shalt  }
0x79: {  	_ =	shalt  }
0x7a: {  	_ =	shalt  }
0x7b: {  	_ =	shalt  }
0x7c: {  	_ =	shalt  }
0x7d: {  	_ =	shalt  }
0x7e: {  	_ =	shalt  }
0x7f: {  	_ =	shalt  }
0x80: {  	_ =	shalt  }
0x81: {  	_ =	shalt  }
0x82: {  	_ =	shalt  }
0x83: {  	_ =	shalt  }
0x84: {  	_ =	shalt  }
0x85: {  	_ =	shalt  }
0x86: {  	_ =	shalt  }
0x87: {  	_ =	shalt  }
.Lfunc_end0:
.L_simem_size_0:
called_computation.2_lowered:
.L_overlay_start_0:
0x88: {  	s2 =	sld [smem:$0x3FD9]  }
0x89: {  	s3 =	sld [smem:$0x3FFE];
	_ =	sdelay $0x1  }
0x8a: {  	s1 =	srdreg.scid  }
0x8b: {  	s0 =	sand.u32 $0x1, s1  }
0x8c: {  	s14 =	sshll.u32 s0, $0xA;
	s2 =	sadd.s32 s3, s2  }
0x8d: {  	s2 =	sadd.s32 s2, s14  }
0x8e: {  	[smem:$0x3FB5] =	sst s2  }
0x8f: {  	_ = 	snop  }
0x90: {  	s2 =	sld [smem:$0x3FD0];
	_ =	sdelay $0x2  }
0x91: {  	s15 =	simm.s32 $0xA;
	s4 =	simm.s32 $0x10  }
0x92: {  	[smem:s4], [sflag:s15] =	dma.local [hbm:s2], $0x1  }
0x93: {  	_ =	swait.eq [sflag:s15], $0x1  }
0x94: {  	[sflag:s15] =	ssyncset.done $0x0  }
0x95: {  	s16 =	sld [smem:$0x10];
	[sflag:s15] =	ssyncadd.s32 $0xFFFFFFFF  }
0x96: {  	s17 =	sld [smem:$0x11];
	(tm) =	ssettm $0x1  }
0x97: {  	s18 =	sld [smem:$0x3FFB];
	_ =	sdelay $0x3  }
0x98: {  	_ =	strace s18  }
0x99: {  	s4 =	sld [smem:$0x3FFC];
	_ =	sdelay $0x3  }
0x9a: {  	_ =	strace s4  }
0x9b: {  	s4 =	sld [smem:$0x3FFD];
	_ =	sdelay $0x3  }
0x9c: {  	_ =	strace s4  }
0x9d: {  	_ =	strace $0x8FFFFFFF  }
0x9e: {  	s19 =	sld [smem:$0x3FDB];
	_ =	sdelay $0x1  }
0x9f: {  	s5 =	simm.s32 $_scs_section_size  }
0xa0: {  	s6 =	simm.s32 $_size__tile_overlayer_lowered;
	s7 =	simm.s32 $_tile_overlayer_lowered  }
0xa1: {  	s22 =	simm.s32 $0x1BFF;
	s21 =	sshll.u32 s7, $0x1;
	s4 =	sadd.s32 s5, s19  }
0xa2: {  	s8 =	simm.s32 $0x0;
	s20 =	sshll.u32 s6, $0x1;
	s6 =	sadd.s32 s21, s4  }
0xa3: {  	[timem:s8], [sflag:s22] =	dma.local [hbm:s6], s20  }
0xa4: {  	_ =	swait.ge [sflag:s22], s20  }
0xa5: {  	s5 =	ssub.s32 $0x0, s20;
	[sflag:s22] =	ssyncset.done $0x0  }
0xa6: {  	[sflag:s22] =	ssyncadd.s32 s5;
	_ =	sdelay $0x1  }
0xa7: {  	s23 =	simm.s32 $0x1B8B  }
0xa8: {  	_ =	swait.ge [sflag:s23], $0x1  }
0xa9: {  	[sflag:s23] =	ssyncset.done $0x0  }
0xaa: {  	s25 =	simm.s32 $0x1B8E;
	s24 =	sld [smem:$0x3FFE];
	[sflag:s23] =	ssyncadd.s32 $0xFFFFFFFF  }
0xab: {  	s26 =	simm.s32 $execute0_lowered;
	[smem:$0x3FD2] =	sst s25  }
0xac: {  	s6 =	sshll.u32 s26, $0x1;
	_ =	strace $0x8000004C;
	[dreg:$0x1] =	wrdreg $0xFFFFFFFF  }
0xad: {  	s28 =	simm.s32 $_size_execute0_lowered;
	s4 =	sadd.s32 s4, s6;
	[dreg:$0x0] =	wrdreg $0x0  }
0xae: {  	s6 =	sshll.u32 s28, $0x1;
	[dreg:$0x2] =	wrdreg s4  }
0xaf: {  	[dreg:$0x3] =	wrdreg s6  }
0xb0: {  	[dreg:$0x4] =	wrdreg $0xC0  }
0xb1: {  	_ =	task [dreg:s8], $0x5FFFF  }
0xb2: {  	[dreg:$0x1] =	wrdreg $0xFFFFFFFF  }
0xb3: {  	[dreg:$0x0] =	wrdreg $0x60  }
0xb4: {  	[dreg:$0x2] =	wrdreg s24  }
0xb5: {  	[dreg:$0x3] =	wrdreg s17  }
0xb6: {  	[dreg:$0x4] =	wrdreg s16  }
0xb7: {  	[dreg:$0x5] =	wrdreg $0xB0000  }
0xb8: {  	[dreg:$0x6] =	wrdreg $0x9  }
0xb9: {  	_ =	task.clear_ibuf [dreg:s8], $0x7FFFF;
	_ =	strace $0x9000004C  }
0xba: {  	s29 =	simm.s32 $0x9;
	_ =	strace $0x8000004E  }
0xbb: {  	_ =	swait.ge [sflag:s29], $0x1  }
0xbc: {  	[sflag:s29] =	ssyncadd.s32 $0xFFFFFFFF  }
0xbd: {  	_ =	strace $0x9000004E  }
0xbe: {  	_ =	sfence  }
0xbf: {  	s30 =	sld [smem:$0x0];
	_ =	sdelay $0x2  }
0xc0: {  	s31 =	sshll.u32 s1, $0xD;
	s1 =	sshrl.u32 s1, $0x2  }
0xc1: {  	s3 =	sand.u32 $0x4000, s31;
	s1 =	sadd.s32 s1, s30  }
0xc2: {  	s0 =	sor.u32 s3, s0;
	s1 =	sshll.u32 s1, $0x11  }
0xc3: {  	s0 =	sor.u32 s1, s0  }
0xc4: {  	s0 =	sadd.s32 $0x8F2B, s0  }
0xc5: {  	[sflag:s0] =	ssyncadd.remote.s32 $0x1  }
0xc6: {  	_ =	sfence.sel $0xFFFF  }
0xc7: {  	[dreg:$0x0] =	wrdreg $0xFFFFFFFF;
	(pc) =	sbr.abs _section_cstart, $3  }
0xc8: {  	[dreg:$0x1] =	wrdreg $0xFFFFFFFF  }
0xc9: {  	_ =	task.clear_ibuf [dreg:s8], $0x2FFFF;
	_ =	strace $0x9FFFFFFF  }
0xca: {  	(tm) =	ssettm $0x7FFFFFFF  }
0xcb: {  	_ =	shalt  }
tec
execute0_lowered:
.L_overlay_start_1:
0x0: {  	(tag) =	ssettag $0x1  }
0x1: {  	s7 =	rddreg [dreg:$0x0]  }
0x2: {  	s1 =	rddreg [dreg:$0x1]  }
0x3: {  	s9 =	rddreg [dreg:$0x2]  }
0x4: {  	s2 =	rddreg [dreg:$0x3]  }
0x5: {  	s3 =	srdreg.scid;
	s0 =	rddreg [dreg:$0x4]  }
0x6: {  	s4 =	simm.s32 $0x0;
	s15 =	simm.s32 $0x7D;
	s6 =	sand.u32 $0x1, s3  }
0x7: {  	s16 =	simm.s32 $0x3000;
	s3 =	stileid.u32;
	s8 =	smul.u32 $0x13C000, s6  }
0x8: {  	s17 =	simm.s32 $0x80;
	s18 =	simm.s32 $0x7000;
	s10 =	smul.u32 $0x13C00, s3  }
0x9: {  	s19 =	simm.s32 $0x0;
	[smem:$0x7FF] =	sst s4;
	s11 =	smul.u32 $0x4F000, s3  }
0xa: {  	s5 =	sadd.s32 $0x4400, s7;
	_ =	strace $0x8000004D;
	s26 =	smul.u32 $0x28000, s6  }
0xb: {  	s12 =	ssub.s32 $0x2, s6;
	s13 =	smul.u32 $0x2800, s3;
	s6 =	sadd.s32 $0x2B600, s7  }
0xc: {  	s31 =	sshll.u32 s3, $0x6;
	s28 =	sshrl.u32 s12, $0x1;
	s8 =	sadd.s32 s10, s8  }
.Ltmp0:
0xd: {  	s12 =	ssub.s32 s12, s28;
	s29 =	sshrl.u32 s11, $0x2;
	(pc) =	sbr.rel .LBB2_1-.Ltmp0, $4  }
0xe: {  	s8 =	sshrl.u32 s8, $0x3;
	s30 =	sadd.s32 s29, s2;
	s12 =	smax.u32 s12, $0x1  }
0xf: {  	s14 =	sadd.s32 s8, s7;
	s7 =	sadd.s32 s13, s26;
	s8 =	sor.u32 $0x1C05, s31  }
0x10: {  	s13 =	sshrl.u32 s30, $0x3;
	s10 =	sshrl.u32 s7, $0x3;
	s11 =	sadd.s32 $0x2DE00, s14  }
0x11: {  	s14 =	simm.s32 $0x5;
	s9 =	sadd.s32 s9, s10;
	s10 =	sadd.s32 s1, s10  }
.LBB2_6:
0x12: {  	s19 =	sadd.s32 $0x1, s19  }
0x13: {  	p0 =	sne.s32 s19, s12  }
.Ltmp1:
0x14: {  	[bflag:$0x0] =	sbarrier.arrive $0xFFFF;
	(pc) =	sbr.rel @!p0 .LBB2_7-.Ltmp1, $4  }
0x15: {  	[hbm:s11], [sflag:s8] =	dma.local [spmem:s13], $0x2780  }
0x16: {  	_ =	swait.ge [sflag:s14], $0x2780  }
0x17: {  	[sflag:s14] =	ssyncset.done $0x0  }
0x18: {  	[sflag:s14] =	ssyncadd.s32 $0xFFFFD880  }
.LBB2_1:
0x19: {  	[spmem:s13], [sflag:s8] =	dma.local [hbm:s6], $0x2780  }
0x1a: {  	_ =	swait.ge [sflag:s14], $0x2780  }
0x1b: {  	[sflag:s14] =	ssyncset.done $0x0  }
0x1c: {  	s20 =	simm.s32 $0x800;
	[sflag:s14] =	ssyncadd.s32 $0xFFFFD880  }
0x1d: {  	[tilespmem:s20], [sflag:$0x5] =	stream.linear.gather [hbm4b:s9+s4], $0x2800, $0x38;
	[tilespmem:$0x1EC00] =	vst v63  }
0x1e: {  	_ =	swait.ge [sflag:s14], $0x2800  }
0x1f: {  	[sflag:s14] =	ssyncset.done $0x0  }
0x20: {  	[sflag:s14] =	ssyncadd.s32 $0xFFFFD800  }
0x21: {  	[tilespmem:s4], [sflag:$0x5] =	stream.linear.gather [hbm4b:s10+s4], $0x400, $0x38;
	[tilespmem:$0x1EC00] =	vst v63  }
0x22: {  	_ =	swait.ge [sflag:s14], $0x400  }
0x23: {  	[sflag:s14] =	ssyncset.done $0x0  }
.Ltmp2:
0x24: {  	[sflag:s14] =	ssyncadd.s32 $0xFFFFFC00;
	(pc) =	sbr.rel .LBB2_2-.Ltmp2, $4  }
0x25: {  	[bflag:$0x0] =	sbarrier.arrive $0xFFFF  }
0x26: {  	[tilespmem:s16], [sflag:$0x1] =	stream.indirect.gather [hbm4b:s5+s15], $0x80, s4, s15, $0xb8;
	[tilespmem:$0x1EC00] =	vst v63  }
0x27: {  	s21 =	simm.s32 $0x100;
	s22 =	simm.s32 $0x0  }
0x28: {  	[tilespmem:s18], [sflag:$0x2] =	stream.indirect.gather [hbm4b:s5+s15], $0x80, s17, s15, $0xb8;
	[tilespmem:$0x1EC00] =	vst v63  }
.LBB2_4:
0x29: {  	p1 =	sne.s32 @!p0 s24, $0x6  }
0x2a: {  	p0 =	por p1, p0  }
0x2b: {  	s23 =	sand.u32 @!p0 $0x1, s23  }
0x2c: {  	s23 =	sadd.s32 @!p0 $0x3, s23  }
0x2d: {  	_ =	swait.ge @!p0 [sflag:s23], $0x400  }
0x2e: {  	[sflag:s23] =	ssyncset.done @!p0 $0x0  }
0x2f: {  	[sflag:s23] =	ssyncadd.s32 @!p0 $0xFFFFFC00  }
.LBB2_5:
0x30: {  	s23 =	sand.u32 $0x1, s22  }
0x31: {  	s24 =	sadd.s32 $0x1, s23  }
0x32: {  	_ =	swait.ge [sflag:s24], $0x3E80  }
0x33: {  	s23 =	sshll.u32 s23, $0xE;
	[sflag:s24] =	ssyncset.done $0x0  }
0x34: {  	s23 =	sor.u32 $0x3000, s23;
	[sflag:s24] =	ssyncadd.s32 $0xFFFFC180  }
0x35: {  	[spmem:s2] =	stream.indirect.scatter.add.f32 [tilespmem:s23], [sflag:$0x5], $0x80, s20, s15, $0xb8;
	[tilespmem:$0x1EC00] =	vst v63  }
0x36: {  	p0 =	sgt.u32 s22, $0x4D;
	_ =	swait.ge [sflag:s14], $0x3E80  }
0x37: {  	s25 =	sand.u32 @!p0 $0x780, s21;
	[sflag:s14] =	ssyncset.done $0x0  }
0x38: {  	s26 =	simm.s32 @!p0 $0x7D;
	s21 =	sadd.s32 $0x80, s21;
	[sflag:s14] =	ssyncadd.s32 $0xFFFFC180  }
0x39: {  	[tilespmem:s23], [sflag:s24] =	stream.indirect.gather @!p0 [hbm4b:s5+s26], $0x80, s25, s26, $0xb8;
	[tilespmem:$0x1EC00] =	vst v63  }
0x3a: {  	p0 =	sne.s32 s21, $0x2900  }
.Ltmp3:
0x3b: {  	_ = 	snop;
	(pc) =	sbr.rel @!p0 .LBB2_6-.Ltmp3, $2  }
0x3c: {  	_ =	sdelay $0x2  }
0x3d: {  	s22 =	sadd.s32 $0x1, s22;
	s20 =	sadd.s32 $0x80, s20  }
.LBB2_2:
0x3e: {  	s24 =	sand.u32 $0x7, s22;
	p0 =	sgt.u32 s22, $0x47  }
0x3f: {  	p1 =	sne.s32 @!p0 s24, $0x0  }
0x40: {  	p1 =	por p0, p1  }
.Ltmp4:
0x41: {  	_ = 	snop;
	(pc) =	sbr.rel @p1 .LBB2_4-.Ltmp4, $3  }
0x42: {  	_ =	sdelay $0x1  }
0x43: {  	s23 =	sshrl.u32 s22, $0x3  }
0x44: {  	s23 =	sadd.s32 $0x1, s23  }
.Ltmp5:
0x45: {  	s24 =	sshll.u32 s23, $0xA;
	(pc) =	sbr.rel .LBB2_5-.Ltmp5, $4  }
0x46: {  	s24 =	sadd.s32 s7, s24  }
0x47: {  	s31 =	sand.u32 $0x1, s23;
	s24 =	sshrl.u32 s24, $0x3  }
0x48: {  	s25 =	sshll.u32 s31, $0xA;
	s23 =	sadd.s32 $0x3, s31;
	s24 =	sadd.s32 s1, s24  }
0x49: {  	[tilespmem:s25], [sflag:s23] =	stream.linear.gather [hbm4b:s24+s4], $0x400, $0x38;
	[tilespmem:$0x1EC00] =	vst v63  }
.LBB2_7:
0x4a: {  	_ =	sfence.sel $0x180000  }
0x4b: {  	[bflag:$0x0] =	sbarrier.arrive $0xFFFF  }
0x4c: {  	p0 =	sne.s32 s3, $0x0;
	_ =	strace $0x9000004D  }
0x4d: {  	s0 =	sadd.s32 @!p0 $0x100000, s0;
	[bflag:$0x2] =	sbarrier.arrive $0xFFFF  }
0x4e: {  	[sflag:s0] =	ssyncadd.tile.s32 @!p0 $0x1;
	_ =	shalt  }
.Lfunc_end2:
_tile_overlayer_lowered:
.L_overlay_start_2:
0x4f: {  	(tag) =	ssettag $0x2  }
0x50: {  	s0 =	rddreg [dreg:$0x0];
	s2 =	stileid.u32  }
0x51: {  	s1 =	rddreg [dreg:$0x1];
	p0 =	sne.s32 s2, $0x0  }
0x52: {  	s3 =	rddreg [dreg:$0x2];
	[bflag:$0x3] =	sbarrier.arrive $0xFFFF;
	s2 =	simm.s32 @!p0 $0x1C05  }
0x53: {  	[timem:s3], [sflag:s2] =	dma.local @!p0 [hbm:s0], s1  }
0x54: {  	s0 =	simm.s32 @!p0 $0x5  }
0x55: {  	_ =	swait.ge @!p0 [sflag:s0], s1  }
0x56: {  	s1 =	ssub.s32 @!p0 $0x0, s1;
	[sflag:s0] =	ssyncset.done @!p0 $0x0  }
0x57: {  	[sflag:s0] =	ssyncadd.s32 @!p0 s1  }
0x58: {  	[bflag:$0x3] =	sbarrier.arrive $0xFFFF  }
0x59: {  	_ =	shalt  }

</sc_bundles>
